<compile_context>
chip_gen: v7x
topology: tpu7x:2x2x1
jax: 0.10.2.dev20260603
libtpu: 0.0.44.dev20260713+nightly
codegen_flags: <defaults>
</compile_context>

<pallas_src>
import functools

import jax
import jax.numpy as jnp
from jax import lax
from jax.experimental import pallas as pl
from jax.experimental.pallas import tpu as pltpu
from jax.experimental.pallas import tpu_sc as plsc

M, D = 131072, 128
TO_ADD_CONST = 1.0
CHUNK = 8192
NCHUNKS = M // CHUNK
NBUF = 6
B = 8
L = 16

_mesh = plsc.VectorSubcoreMesh(core_axis_name="c", subcore_axis_name="s")


@functools.partial(
    pl.kernel,
    out_type=jax.ShapeDtypeStruct((B, D), jnp.float32),
    mesh=_mesh,
    scratch_types=(
        pltpu.VMEM((B,), jnp.int32),
        pltpu.VMEM((B, D), jnp.float32),
        pltpu.SemaphoreType.DMA,
    ),
)
def _sc_gather_add(x_hbm, idxv_hbm, rows_out_hbm, idx_v, rows_v, sem):
    c = lax.axis_index("c")
    s = lax.axis_index("s")

    @pl.when((c == 0) & (s == 0))
    def _():
        pltpu.sync_copy(idxv_hbm, idx_v)
        pltpu.async_copy(x_hbm.at[idx_v], rows_v, sem).wait()
        for i in range(B):
            for j in range(D // L):
                sl = (i, pl.ds(j * L, L))
                rows_v[sl] = rows_v[sl] + TO_ADD_CONST
        pltpu.sync_copy(rows_v, rows_out_hbm)


def _tc_body(idx_ref, x_hbm, rows_ref, o_hbm, *rest):
    bufs = rest[:NBUF]
    in_sems = rest[NBUF:2 * NBUF]
    out_sems = rest[2 * NBUF:3 * NBUF]
    idx = idx_ref[0]

    def in_cp(k):
        b = k % NBUF
        return pltpu.make_async_copy(
            x_hbm.at[pl.ds(k * CHUNK, CHUNK), :], bufs[b], in_sems[b])

    def out_cp(k):
        b = k % NBUF
        return pltpu.make_async_copy(
            bufs[b], o_hbm.at[pl.ds(k * CHUNK, CHUNK), :], out_sems[b])

    for j in range(NBUF):
        in_cp(j).start()

    for k in range(NCHUNKS):
        in_cp(k).wait()
        b = k % NBUF
        base = k * CHUNK

        @pl.when((idx >= base) & (idx < base + CHUNK))
        def _(b=b, base=base):
            r = idx - base
            bufs[b][pl.ds(r, 1), :] = rows_ref[pl.ds(0, 1), :]

        out_cp(k).start()
        j = k + NBUF
        if j < NCHUNKS:
            out_cp(k).wait()
            in_cp(j).start()

    for k in range(max(NCHUNKS - NBUF, 0), NCHUNKS):
        out_cp(k).wait()


def _tc_copy_insert(idx_arr, rows, x):
    grid_spec = pltpu.PrefetchScalarGridSpec(
        num_scalar_prefetch=1,
        grid=(1,),
        in_specs=[
            pl.BlockSpec(memory_space=pl.ANY),
            pl.BlockSpec((B, D), lambda i, idx: (0, 0)),
        ],
        out_specs=pl.BlockSpec(memory_space=pl.ANY),
        scratch_shapes=(
            [pltpu.VMEM((CHUNK, D), jnp.float32)] * NBUF
            + [pltpu.SemaphoreType.DMA] * (2 * NBUF)
        ),
    )
    return pl.pallas_call(
        _tc_body,
        grid_spec=grid_spec,
        out_shape=jax.ShapeDtypeStruct((M, D), jnp.float32),
    )(idx_arr, x, rows)


def kernel(tensor, slice_index, related_index):
    idx_arr = jnp.asarray(slice_index, dtype=jnp.int32).reshape((1,))
    idxv = jnp.full((B,), slice_index, dtype=jnp.int32)
    rows = _sc_gather_add(tensor, idxv)
    out = _tc_copy_insert(idx_arr, rows, tensor)
    return (out, slice_index, related_index)

# --- scband reference (transcript-rebuilt; emitter-appended) ---
"""Pipeline reference for scband-add-29695403884671 (READ-ONLY COPY).

The authoritative reference and input builder live on the scoring server;
editing this copy changes nothing except your own understanding.
"""

import jax, jax.numpy as jnp
import numpy as np

TO_ADD = 1.0  # init kwarg to_add
M, D = 131072, 128

def setup_inputs(seed: int = 0) -> dict:
    key = jax.random.key(seed)
    k1, k2 = jax.random.split(key)
    tensor = jax.random.normal(k1, (M, D), dtype=jnp.float32)
    slice_index = 777  # python int, < M
    related_index = jax.random.randint(k2, (16,), 0, M, dtype=jnp.int32)
    return {"tensor": tensor, "slice_index": slice_index, "related_index": related_index}

def reference(tensor, slice_index, related_index):
    # _get_target_tensor: slice the target row out of the memory tensor
    target_tensor = tensor[slice_index]
    # call body: add the constant
    to_update_tensor = target_tensor + TO_ADD
    # _update_tensor: scatter-overwrite the updated slice back into the tensor
    updated_tensor = tensor.at[slice_index].set(to_update_tensor)
    return (updated_tensor, slice_index, related_index)

if __name__ == "__main__":
    import jax
    _d = setup_inputs()
    print(jax.jit(kernel)(*tuple(_d.values())))

</pallas_src>

<mosaic_0001>
#map = affine_map<(d0, d1) -> (0, 0)>
#map1 = affine_map<(d0, d1) -> (0)>
module attributes {stable_mosaic.version = 14 : i64} {
  func.func @_sc_gather_add(%arg0: i32, %arg1: i32, %arg2: memref<131072x128xf32, #tpu.memory_space<hbm>>, %arg3: memref<8xi32, #tpu.memory_space<hbm>>, %arg4: memref<8x128xf32, #tpu.memory_space<hbm>>, %arg5: memref<8xi32, #tpu.memory_space<vmem>>, %arg6: memref<8x128xf32, #tpu.memory_space<vmem>>, %arg7: memref<!tpu.dma_semaphore, #tpu.memory_space<semaphore_mem>>) attributes {dimension_semantics = [#tpu.dimension_semantics<core_parallel>, #tpu.dimension_semantics<subcore_parallel>], iteration_bounds = array<i64: 2, 16>, scalar_prefetch = 0 : i64, scratch_operands = 3 : i64, tpu.core_type = #tpu.core_type<sc_vector_subcore>, window_params = [{transform_indices = #map}, {transform_indices = #map1}, {transform_indices = #map}]} {
    %eq3A = arith.constant 0 : i32
    %eq3A_0 = arith.cmpi eq, %arg0, %eq3A : i32
    %eq3A_1 = arith.constant 0 : i32
    %eq3A_2 = arith.cmpi eq, %arg1, %eq3A_1 : i32
    %and3A = arith.andi %eq3A_0, %eq3A_2 : i1
    %convert_element_type3A = arith.extui %and3A : i1 to i32
    %cond3A = arith.constant 0 : i32
    %cond3A_3 = arith.cmpi ne, %convert_element_type3A, %cond3A : i32
    scf.if %cond3A_3 {
      "tpu.region"() ({
        %run_scoped3A = tpu.sem_alloc : memref<!tpu.dma_semaphore, #tpu.memory_space<semaphore_mem>>
        tpu.enqueue_dma source(%arg3 : memref<8xi32, #tpu.memory_space<hbm>>) target(%arg5 : memref<8xi32, #tpu.memory_space<vmem>>) target_semaphore(%run_scoped3A : memref<!tpu.dma_semaphore, #tpu.memory_space<semaphore_mem>>)
        tpu.wait_dma2 semaphore(%run_scoped3A : memref<!tpu.dma_semaphore, #tpu.memory_space<semaphore_mem>>) src(%arg3 : memref<8xi32, #tpu.memory_space<hbm>>) dst(%arg5 : memref<8xi32, #tpu.memory_space<vmem>>)
        tpu.yield
      }) : () -> ()
      %dma_start3A = arith.constant 0 : i32
      %dma_start3A_4 = arith.constant 0 : i32
      %dma_start3A_5 = tpu.memref_slice %arg2[%dma_start3A, %dma_start3A_4] : memref<131072x128xf32, #tpu.memory_space<hbm>> -> memref<131072x128xf32, #tpu.memory_space<hbm>>
      tpu.enqueue_indirect_dma source(%dma_start3A_5 : memref<131072x128xf32, #tpu.memory_space<hbm>>) target(%arg6 : memref<8x128xf32, #tpu.memory_space<vmem>>) offsets(%arg5 : memref<8xi32, #tpu.memory_space<vmem>>) semaphore(%arg7 : memref<!tpu.dma_semaphore, #tpu.memory_space<semaphore_mem>>)
      %dma_wait3A = arith.constant 0 : i32
      %dma_wait3A_6 = arith.constant 0 : i32
      %dma_wait3A_7 = tpu.memref_slice %arg2[%dma_wait3A, %dma_wait3A_6] : memref<131072x128xf32, #tpu.memory_space<hbm>> -> memref<131072x128xf32, #tpu.memory_space<hbm>>
      tpu.wait_indirect_dma semaphore(%arg7 : memref<!tpu.dma_semaphore, #tpu.memory_space<semaphore_mem>>) src(%dma_wait3A_7 : memref<131072x128xf32, #tpu.memory_space<hbm>>) dst(%arg6 : memref<8x128xf32, #tpu.memory_space<vmem>>)
      %get3A = arith.constant 0 : i32
      %get3A_8 = arith.index_cast %get3A : i32 to index
      %get3A_9 = arith.constant 0 : index
      %get3A_10 = tpu.vector_load %arg6[%get3A_8, %get3A_9] {strides = array<i32>} : memref<8x128xf32, #tpu.memory_space<vmem>>, vector<1x16xf32>,
      %get3A_11 = vector.shape_cast %get3A_10 : vector<1x16xf32> to vector<16xf32>
      %add3A = arith.constant 1.000000e+00 : f32
      %add3A_12 = vector.broadcast %add3A : f32 to vector<16xf32>
      %add3A_13 = arith.addf %get3A_11, %add3A_12 : vector<16xf32>
      %swap3A = arith.constant 0 : i32
      %swap3A_14 = arith.index_cast %swap3A : i32 to index
      %swap3A_15 = arith.constant 0 : index
      %swap3A_16 = tpu.vector_load %arg6[%swap3A_14, %swap3A_15] {strides = array<i32>} : memref<8x128xf32, #tpu.memory_space<vmem>>, vector<1x16xf32>,
      %swap3A_17 = vector.shape_cast %swap3A_16 : vector<1x16xf32> to vector<16xf32>
      %swap3A_18 = vector.shape_cast %add3A_13 : vector<16xf32> to vector<1x16xf32>
      tpu.vector_store %arg6[%swap3A_14, %swap3A_15], %swap3A_18 {strides = array<i32>} : memref<8x128xf32, #tpu.memory_space<vmem>>, vector<1x16xf32>,
      %get3A_19 = arith.constant 0 : i32
      %get3A_20 = arith.index_cast %get3A_19 : i32 to index
      %get3A_21 = arith.constant 16 : index
      %get3A_22 = tpu.vector_load %arg6[%get3A_20, %get3A_21] {strides = array<i32>} : memref<8x128xf32, #tpu.memory_space<vmem>>, vector<1x16xf32>,
      %get3A_23 = vector.shape_cast %get3A_22 : vector<1x16xf32> to vector<16xf32>
      %add3A_24 = arith.constant 1.000000e+00 : f32
      %add3A_25 = vector.broadcast %add3A_24 : f32 to vector<16xf32>
      %add3A_26 = arith.addf %get3A_23, %add3A_25 : vector<16xf32>
      %swap3A_27 = arith.constant 0 : i32
      %swap3A_28 = arith.index_cast %swap3A_27 : i32 to index
      %swap3A_29 = arith.constant 16 : index
      %swap3A_30 = tpu.vector_load %arg6[%swap3A_28, %swap3A_29] {strides = array<i32>} : memref<8x128xf32, #tpu.memory_space<vmem>>, vector<1x16xf32>,
      %swap3A_31 = vector.shape_cast %swap3A_30 : vector<1x16xf32> to vector<16xf32>
      %swap3A_32 = vector.shape_cast %add3A_26 : vector<16xf32> to vector<1x16xf32>
      tpu.vector_store %arg6[%swap3A_28, %swap3A_29], %swap3A_32 {strides = array<i32>} : memref<8x128xf32, #tpu.memory_space<vmem>>, vector<1x16xf32>,
      %get3A_33 = arith.constant 0 : i32
      %get3A_34 = arith.index_cast %get3A_33 : i32 to index
      %get3A_35 = arith.constant 32 : index
      %get3A_36 = tpu.vector_load %arg6[%get3A_34, %get3A_35] {strides = array<i32>} : memref<8x128xf32, #tpu.memory_space<vmem>>, vector<1x16xf32>,
      %get3A_37 = vector.shape_cast %get3A_36 : vector<1x16xf32> to vector<16xf32>
      %add3A_38 = arith.constant 1.000000e+00 : f32
      %add3A_39 = vector.broadcast %add3A_38 : f32 to vector<16xf32>
      %add3A_40 = arith.addf %get3A_37, %add3A_39 : vector<16xf32>
      %swap3A_41 = arith.constant 0 : i32
      %swap3A_42 = arith.index_cast %swap3A_41 : i32 to index
      %swap3A_43 = arith.constant 32 : index
      %swap3A_44 = tpu.vector_load %arg6[%swap3A_42, %swap3A_43] {strides = array<i32>} : memref<8x128xf32, #tpu.memory_space<vmem>>, vector<1x16xf32>,
      %swap3A_45 = vector.shape_cast %swap3A_44 : vector<1x16xf32> to vector<16xf32>
      %swap3A_46 = vector.shape_cast %add3A_40 : vector<16xf32> to vector<1x16xf32>
      tpu.vector_store %arg6[%swap3A_42, %swap3A_43], %swap3A_46 {strides = array<i32>} : memref<8x128xf32, #tpu.memory_space<vmem>>, vector<1x16xf32>,
      %get3A_47 = arith.constant 0 : i32
      %get3A_48 = arith.index_cast %get3A_47 : i32 to index
      %get3A_49 = arith.constant 48 : index
      %get3A_50 = tpu.vector_load %arg6[%get3A_48, %get3A_49] {strides = array<i32>} : memref<8x128xf32, #tpu.memory_space<vmem>>, vector<1x16xf32>,
      %get3A_51 = vector.shape_cast %get3A_50 : vector<1x16xf32> to vector<16xf32>
      %add3A_52 = arith.constant 1.000000e+00 : f32
      %add3A_53 = vector.broadcast %add3A_52 : f32 to vector<16xf32>
      %add3A_54 = arith.addf %get3A_51, %add3A_53 : vector<16xf32>
      %swap3A_55 = arith.constant 0 : i32
      %swap3A_56 = arith.index_cast %swap3A_55 : i32 to index
      %swap3A_57 = arith.constant 48 : index
      %swap3A_58 = tpu.vector_load %arg6[%swap3A_56, %swap3A_57] {strides = array<i32>} : memref<8x128xf32, #tpu.memory_space<vmem>>, vector<1x16xf32>,
      %swap3A_59 = vector.shape_cast %swap3A_58 : vector<1x16xf32> to vector<16xf32>
      %swap3A_60 = vector.shape_cast %add3A_54 : vector<16xf32> to vector<1x16xf32>
      tpu.vector_store %arg6[%swap3A_56, %swap3A_57], %swap3A_60 {strides = array<i32>} : memref<8x128xf32, #tpu.memory_space<vmem>>, vector<1x16xf32>,
      %get3A_61 = arith.constant 0 : i32
      %get3A_62 = arith.index_cast %get3A_61 : i32 to index
      %get3A_63 = arith.constant 64 : index
      %get3A_64 = tpu.vector_load %arg6[%get3A_62, %get3A_63] {strides = array<i32>} : memref<8x128xf32, #tpu.memory_space<vmem>>, vector<1x16xf32>,
      %get3A_65 = vector.shape_cast %get3A_64 : vector<1x16xf32> to vector<16xf32>
      %add3A_66 = arith.constant 1.000000e+00 : f32
      %add3A_67 = vector.broadcast %add3A_66 : f32 to vector<16xf32>
      %add3A_68 = arith.addf %get3A_65, %add3A_67 : vector<16xf32>
      %swap3A_69 = arith.constant 0 : i32
      %swap3A_70 = arith.index_cast %swap3A_69 : i32 to index
      %swap3A_71 = arith.constant 64 : index
      %swap3A_72 = tpu.vector_load %arg6[%swap3A_70, %swap3A_71] {strides = array<i32>} : memref<8x128xf32, #tpu.memory_space<vmem>>, vector<1x16xf32>,
      %swap3A_73 = vector.shape_cast %swap3A_72 : vector<1x16xf32> to vector<16xf32>
      %swap3A_74 = vector.shape_cast %add3A_68 : vector<16xf32> to vector<1x16xf32>
      tpu.vector_store %arg6[%swap3A_70, %swap3A_71], %swap3A_74 {strides = array<i32>} : memref<8x128xf32, #tpu.memory_space<vmem>>, vector<1x16xf32>,
      %get3A_75 = arith.constant 0 : i32
      %get3A_76 = arith.index_cast %get3A_75 : i32 to index
      %get3A_77 = arith.constant 80 : index
      %get3A_78 = tpu.vector_load %arg6[%get3A_76, %get3A_77] {strides = array<i32>} : memref<8x128xf32, #tpu.memory_space<vmem>>, vector<1x16xf32>,
      %get3A_79 = vector.shape_cast %get3A_78 : vector<1x16xf32> to vector<16xf32>
      %add3A_80 = arith.constant 1.000000e+00 : f32
      %add3A_81 = vector.broadcast %add3A_80 : f32 to vector<16xf32>
      %add3A_82 = arith.addf %get3A_79, %add3A_81 : vector<16xf32>
      %swap3A_83 = arith.constant 0 : i32
      %swap3A_84 = arith.index_cast %swap3A_83 : i32 to index
      %swap3A_85 = arith.constant 80 : index
      %swap3A_86 = tpu.vector_load %arg6[%swap3A_84, %swap3A_85] {strides = array<i32>} : memref<8x128xf32, #tpu.memory_space<vmem>>, vector<1x16xf32>,
      %swap3A_87 = vector.shape_cast %swap3A_86 : vector<1x16xf32> to vector<16xf32>
      %swap3A_88 = vector.shape_cast %add3A_82 : vector<16xf32> to vector<1x16xf32>
      tpu.vector_store %arg6[%swap3A_84, %swap3A_85], %swap3A_88 {strides = array<i32>} : memref<8x128xf32, #tpu.memory_space<vmem>>, vector<1x16xf32>,
      %get3A_89 = arith.constant 0 : i32
      %get3A_90 = arith.index_cast %get3A_89 : i32 to index
      %get3A_91 = arith.constant 96 : index
      %get3A_92 = tpu.vector_load %arg6[%get3A_90, %get3A_91] {strides = array<i32>} : memref<8x128xf32, #tpu.memory_space<vmem>>, vector<1x16xf32>,
      %get3A_93 = vector.shape_cast %get3A_92 : vector<1x16xf32> to vector<16xf32>
      %add3A_94 = arith.constant 1.000000e+00 : f32
      %add3A_95 = vector.broadcast %add3A_94 : f32 to vector<16xf32>
      %add3A_96 = arith.addf %get3A_93, %add3A_95 : vector<16xf32>
      %swap3A_97 = arith.constant 0 : i32
      %swap3A_98 = arith.index_cast %swap3A_97 : i32 to index
      %swap3A_99 = arith.constant 96 : index
      %swap3A_100 = tpu.vector_load %arg6[%swap3A_98, %swap3A_99] {strides = array<i32>} : memref<8x128xf32, #tpu.memory_space<vmem>>, vector<1x16xf32>,
      %swap3A_101 = vector.shape_cast %swap3A_100 : vector<1x16xf32> to vector<16xf32>
      %swap3A_102 = vector.shape_cast %add3A_96 : vector<16xf32> to vector<1x16xf32>
      tpu.vector_store %arg6[%swap3A_98, %swap3A_99], %swap3A_102 {strides = array<i32>} : memref<8x128xf32, #tpu.memory_space<vmem>>, vector<1x16xf32>,
      %get3A_103 = arith.constant 0 : i32
      %get3A_104 = arith.index_cast %get3A_103 : i32 to index
      %get3A_105 = arith.constant 112 : index
      %get3A_106 = tpu.vector_load %arg6[%get3A_104, %get3A_105] {strides = array<i32>} : memref<8x128xf32, #tpu.memory_space<vmem>>, vector<1x16xf32>,
      %get3A_107 = vector.shape_cast %get3A_106 : vector<1x16xf32> to vector<16xf32>
      %add3A_108 = arith.constant 1.000000e+00 : f32
      %add3A_109 = vector.broadcast %add3A_108 : f32 to vector<16xf32>
      %add3A_110 = arith.addf %get3A_107, %add3A_109 : vector<16xf32>
      %swap3A_111 = arith.constant 0 : i32
      %swap3A_112 = arith.index_cast %swap3A_111 : i32 to index
      %swap3A_113 = arith.constant 112 : index
      %swap3A_114 = tpu.vector_load %arg6[%swap3A_112, %swap3A_113] {strides = array<i32>} : memref<8x128xf32, #tpu.memory_space<vmem>>, vector<1x16xf32>,
      %swap3A_115 = vector.shape_cast %swap3A_114 : vector<1x16xf32> to vector<16xf32>
      %swap3A_116 = vector.shape_cast %add3A_110 : vector<16xf32> to vector<1x16xf32>
      tpu.vector_store %arg6[%swap3A_112, %swap3A_113], %swap3A_116 {strides = array<i32>} : memref<8x128xf32, #tpu.memory_space<vmem>>, vector<1x16xf32>,
      %get3A_117 = arith.constant 1 : i32
      %get3A_118 = arith.index_cast %get3A_117 : i32 to index
      %get3A_119 = arith.constant 0 : index
      %get3A_120 = tpu.vector_load %arg6[%get3A_118, %get3A_119] {strides = array<i32>} : memref<8x128xf32, #tpu.memory_space<vmem>>, vector<1x16xf32>,
      %get3A_121 = vector.shape_cast %get3A_120 : vector<1x16xf32> to vector<16xf32>
      %add3A_122 = arith.constant 1.000000e+00 : f32
      %add3A_123 = vector.broadcast %add3A_122 : f32 to vector<16xf32>
      %add3A_124 = arith.addf %get3A_121, %add3A_123 : vector<16xf32>
      %swap3A_125 = arith.constant 1 : i32
      %swap3A_126 = arith.index_cast %swap3A_125 : i32 to index
      %swap3A_127 = arith.constant 0 : index
      %swap3A_128 = tpu.vector_load %arg6[%swap3A_126, %swap3A_127] {strides = array<i32>} : memref<8x128xf32, #tpu.memory_space<vmem>>, vector<1x16xf32>,
      %swap3A_129 = vector.shape_cast %swap3A_128 : vector<1x16xf32> to vector<16xf32>
      %swap3A_130 = vector.shape_cast %add3A_124 : vector<16xf32> to vector<1x16xf32>
      tpu.vector_store %arg6[%swap3A_126, %swap3A_127], %swap3A_130 {strides = array<i32>} : memref<8x128xf32, #tpu.memory_space<vmem>>, vector<1x16xf32>,
      %get3A_131 = arith.constant 1 : i32
      %get3A_132 = arith.index_cast %get3A_131 : i32 to index
      %get3A_133 = arith.constant 16 : index
      %get3A_134 = tpu.vector_load %arg6[%get3A_132, %get3A_133] {strides = array<i32>} : memref<8x128xf32, #tpu.memory_space<vmem>>, vector<1x16xf32>,
      %get3A_135 = vector.shape_cast %get3A_134 : vector<1x16xf32> to vector<16xf32>
      %add3A_136 = arith.constant 1.000000e+00 : f32
      %add3A_137 = vector.broadcast %add3A_136 : f32 to vector<16xf32>
      %add3A_138 = arith.addf %get3A_135, %add3A_137 : vector<16xf32>
      %swap3A_139 = arith.constant 1 : i32
      %swap3A_140 = arith.index_cast %swap3A_139 : i32 to index
      %swap3A_141 = arith.constant 16 : index
      %swap3A_142 = tpu.vector_load %arg6[%swap3A_140, %swap3A_141] {strides = array<i32>} : memref<8x128xf32, #tpu.memory_space<vmem>>, vector<1x16xf32>,
      %swap3A_143 = vector.shape_cast %swap3A_142 : vector<1x16xf32> to vector<16xf32>
      %swap3A_144 = vector.shape_cast %add3A_138 : vector<16xf32> to vector<1x16xf32>
      tpu.vector_store %arg6[%swap3A_140, %swap3A_141], %swap3A_144 {strides = array<i32>} : memref<8x128xf32, #tpu.memory_space<vmem>>, vector<1x16xf32>,
      %get3A_145 = arith.constant 1 : i32
      %get3A_146 = arith.index_cast %get3A_145 : i32 to index
      %get3A_147 = arith.constant 32 : index
      %get3A_148 = tpu.vector_load %arg6[%get3A_146, %get3A_147] {strides = array<i32>} : memref<8x128xf32, #tpu.memory_space<vmem>>, vector<1x16xf32>,
      %get3A_149 = vector.shape_cast %get3A_148 : vector<1x16xf32> to vector<16xf32>
      %add3A_150 = arith.constant 1.000000e+00 : f32
      %add3A_151 = vector.broadcast %add3A_150 : f32 to vector<16xf32>
      %add3A_152 = arith.addf %get3A_149, %add3A_151 : vector<16xf32>
      %swap3A_153 = arith.constant 1 : i32
      %swap3A_154 = arith.index_cast %swap3A_153 : i32 to index
      %swap3A_155 = arith.constant 32 : index
      %swap3A_156 = tpu.vector_load %arg6[%swap3A_154, %swap3A_155] {strides = array<i32>} : memref<8x128xf32, #tpu.memory_space<vmem>>, vector<1x16xf32>,
      %swap3A_157 = vector.shape_cast %swap3A_156 : vector<1x16xf32> to vector<16xf32>
      %swap3A_158 = vector.shape_cast %add3A_152 : vector<16xf32> to vector<1x16xf32>
      tpu.vector_store %arg6[%swap3A_154, %swap3A_155], %swap3A_158 {strides = array<i32>} : memref<8x128xf32, #tpu.memory_space<vmem>>, vector<1x16xf32>,
      %get3A_159 = arith.constant 1 : i32
      %get3A_160 = arith.index_cast %get3A_159 : i32 to index
      %get3A_161 = arith.constant 48 : index
      %get3A_162 = tpu.vector_load %arg6[%get3A_160, %get3A_161] {strides = array<i32>} : memref<8x128xf32, #tpu.memory_space<vmem>>, vector<1x16xf32>,
      %get3A_163 = vector.shape_cast %get3A_162 : vector<1x16xf32> to vector<16xf32>
      %add3A_164 = arith.constant 1.000000e+00 : f32
      %add3A_165 = vector.broadcast %add3A_164 : f32 to vector<16xf32>
      %add3A_166 = arith.addf %get3A_163, %add3A_165 : vector<16xf32>
      %swap3A_167 = arith.constant 1 : i32
      %swap3A_168 = arith.index_cast %swap3A_167 : i32 to index
      %swap3A_169 = arith.constant 48 : index
      %swap3A_170 = tpu.vector_load %arg6[%swap3A_168, %swap3A_169] {strides = array<i32>} : memref<8x128xf32, #tpu.memory_space<vmem>>, vector<1x16xf32>,
      %swap3A_171 = vector.shape_cast %swap3A_170 : vector<1x16xf32> to vector<16xf32>
      %swap3A_172 = vector.shape_cast %add3A_166 : vector<16xf32> to vector<1x16xf32>
      tpu.vector_store %arg6[%swap3A_168, %swap3A_169], %swap3A_172 {strides = array<i32>} : memref<8x128xf32, #tpu.memory_space<vmem>>, vector<1x16xf32>,
      %get3A_173 = arith.constant 1 : i32
      %get3A_174 = arith.index_cast %get3A_173 : i32 to index
      %get3A_175 = arith.constant 64 : index
      %get3A_176 = tpu.vector_load %arg6[%get3A_174, %get3A_175] {strides = array<i32>} : memref<8x128xf32, #tpu.memory_space<vmem>>, vector<1x16xf32>,
      %get3A_177 = vector.shape_cast %get3A_176 : vector<1x16xf32> to vector<16xf32>
      %add3A_178 = arith.constant 1.000000e+00 : f32
      %add3A_179 = vector.broadcast %add3A_178 : f32 to vector<16xf32>
      %add3A_180 = arith.addf %get3A_177, %add3A_179 : vector<16xf32>
      %swap3A_181 = arith.constant 1 : i32
      %swap3A_182 = arith.index_cast %swap3A_181 : i32 to index
      %swap3A_183 = arith.constant 64 : index
      %swap3A_184 = tpu.vector_load %arg6[%swap3A_182, %swap3A_183] {strides = array<i32>} : memref<8x128xf32, #tpu.memory_space<vmem>>, vector<1x16xf32>,
      %swap3A_185 = vector.shape_cast %swap3A_184 : vector<1x16xf32> to vector<16xf32>
      %swap3A_186 = vector.shape_cast %add3A_180 : vector<16xf32> to vector<1x16xf32>
      tpu.vector_store %arg6[%swap3A_182, %swap3A_183], %swap3A_186 {strides = array<i32>} : memref<8x128xf32, #tpu.memory_space<vmem>>, vector<1x16xf32>,
      %get3A_187 = arith.constant 1 : i32
      %get3A_188 = arith.index_cast %get3A_187 : i32 to index
      %get3A_189 = arith.constant 80 : index
      %get3A_190 = tpu.vector_load %arg6[%get3A_188, %get3A_189] {strides = array<i32>} : memref<8x128xf32, #tpu.memory_space<vmem>>, vector<1x16xf32>,
      %get3A_191 = vector.shape_cast %get3A_190 : vector<1x16xf32> to vector<16xf32>
      %add3A_192 = arith.constant 1.000000e+00 : f32
      %add3A_193 = vector.broadcast %add3A_192 : f32 to vector<16xf32>
      %add3A_194 = arith.addf %get3A_191, %add3A_193 : vector<16xf32>
      %swap3A_195 = arith.constant 1 : i32
      %swap3A_196 = arith.index_cast %swap3A_195 : i32 to index
      %swap3A_197 = arith.constant 80 : index
      %swap3A_198 = tpu.vector_load %arg6[%swap3A_196, %swap3A_197] {strides = array<i32>} : memref<8x128xf32, #tpu.memory_space<vmem>>, vector<1x16xf32>,
      %swap3A_199 = vector.shape_cast %swap3A_198 : vector<1x16xf32> to vector<16xf32>
      %swap3A_200 = vector.shape_cast %add3A_194 : vector<16xf32> to vector<1x16xf32>
      tpu.vector_store %arg6[%swap3A_196, %swap3A_197], %swap3A_200 {strides = array<i32>} : memref<8x128xf32, #tpu.memory_space<vmem>>, vector<1x16xf32>,
      %get3A_201 = arith.constant 1 : i32
      %get3A_202 = arith.index_cast %get3A_201 : i32 to index
      %get3A_203 = arith.constant 96 : index
      %get3A_204 = tpu.vector_load %arg6[%get3A_202, %get3A_203] {strides = array<i32>} : memref<8x128xf32, #tpu.memory_space<vmem>>, vector<1x16xf32>,
      %get3A_205 = vector.shape_cast %get3A_204 : vector<1x16xf32> to vector<16xf32>
      %add3A_206 = arith.constant 1.000000e+00 : f32
      %add3A_207 = vector.broadcast %add3A_206 : f32 to vector<16xf32>
      %add3A_208 = arith.addf %get3A_205, %add3A_207 : vector<16xf32>
      %swap3A_209 = arith.constant 1 : i32
      %swap3A_210 = arith.index_cast %swap3A_209 : i32 to index
      %swap3A_211 = arith.constant 96 : index
      %swap3A_212 = tpu.vector_load %arg6[%swap3A_210, %swap3A_211] {strides = array<i32>} : memref<8x128xf32, #tpu.memory_space<vmem>>, vector<1x16xf32>,
      %swap3A_213 = vector.shape_cast %swap3A_212 : vector<1x16xf32> to vector<16xf32>
      %swap3A_214 = vector.shape_cast %add3A_208 : vector<16xf32> to vector<1x16xf32>
      tpu.vector_store %arg6[%swap3A_210, %swap3A_211], %swap3A_214 {strides = array<i32>} : memref<8x128xf32, #tpu.memory_space<vmem>>, vector<1x16xf32>,
      %get3A_215 = arith.constant 1 : i32
      %get3A_216 = arith.index_cast %get3A_215 : i32 to index
      %get3A_217 = arith.constant 112 : index
      %get3A_218 = tpu.vector_load %arg6[%get3A_216, %get3A_217] {strides = array<i32>} : memref<8x128xf32, #tpu.memory_space<vmem>>, vector<1x16xf32>,
      %get3A_219 = vector.shape_cast %get3A_218 : vector<1x16xf32> to vector<16xf32>
      %add3A_220 = arith.constant 1.000000e+00 : f32
      %add3A_221 = vector.broadcast %add3A_220 : f32 to vector<16xf32>
      %add3A_222 = arith.addf %get3A_219, %add3A_221 : vector<16xf32>
      %swap3A_223 = arith.constant 1 : i32
      %swap3A_224 = arith.index_cast %swap3A_223 : i32 to index
      %swap3A_225 = arith.constant 112 : index
      %swap3A_226 = tpu.vector_load %arg6[%swap3A_224, %swap3A_225] {strides = array<i32>} : memref<8x128xf32, #tpu.memory_space<vmem>>, vector<1x16xf32>,
      %swap3A_227 = vector.shape_cast %swap3A_226 : vector<1x16xf32> to vector<16xf32>
      %swap3A_228 = vector.shape_cast %add3A_222 : vector<16xf32> to vector<1x16xf32>
      tpu.vector_store %arg6[%swap3A_224, %swap3A_225], %swap3A_228 {strides = array<i32>} : memref<8x128xf32, #tpu.memory_space<vmem>>, vector<1x16xf32>,
      %get3A_229 = arith.constant 2 : i32
      %get3A_230 = arith.index_cast %get3A_229 : i32 to index
      %get3A_231 = arith.constant 0 : index
      %get3A_232 = tpu.vector_load %arg6[%get3A_230, %get3A_231] {strides = array<i32>} : memref<8x128xf32, #tpu.memory_space<vmem>>, vector<1x16xf32>,
      %get3A_233 = vector.shape_cast %get3A_232 : vector<1x16xf32> to vector<16xf32>
      %add3A_234 = arith.constant 1.000000e+00 : f32
      %add3A_235 = vector.broadcast %add3A_234 : f32 to vector<16xf32>
      %add3A_236 = arith.addf %get3A_233, %add3A_235 : vector<16xf32>
      %swap3A_237 = arith.constant 2 : i32
      %swap3A_238 = arith.index_cast %swap3A_237 : i32 to index
      %swap3A_239 = arith.constant 0 : index
      %swap3A_240 = tpu.vector_load %arg6[%swap3A_238, %swap3A_239] {strides = array<i32>} : memref<8x128xf32, #tpu.memory_space<vmem>>, vector<1x16xf32>,
      %swap3A_241 = vector.shape_cast %swap3A_240 : vector<1x16xf32> to vector<16xf32>
      %swap3A_242 = vector.shape_cast %add3A_236 : vector<16xf32> to vector<1x16xf32>
      tpu.vector_store %arg6[%swap3A_238, %swap3A_239], %swap3A_242 {strides = array<i32>} : memref<8x128xf32, #tpu.memory_space<vmem>>, vector<1x16xf32>,
      %get3A_243 = arith.constant 2 : i32
      %get3A_244 = arith.index_cast %get3A_243 : i32 to index
      %get3A_245 = arith.constant 16 : index
      %get3A_246 = tpu.vector_load %arg6[%get3A_244, %get3A_245] {strides = array<i32>} : memref<8x128xf32, #tpu.memory_space<vmem>>, vector<1x16xf32>,
      %get3A_247 = vector.shape_cast %get3A_246 : vector<1x16xf32> to vector<16xf32>
      %add3A_248 = arith.constant 1.000000e+00 : f32
      %add3A_249 = vector.broadcast %add3A_248 : f32 to vector<16xf32>
      %add3A_250 = arith.addf %get3A_247, %add3A_249 : vector<16xf32>
      %swap3A_251 = arith.constant 2 : i32
      %swap3A_252 = arith.index_cast %swap3A_251 : i32 to index
      %swap3A_253 = arith.constant 16 : index
      %swap3A_254 = tpu.vector_load %arg6[%swap3A_252, %swap3A_253] {strides = array<i32>} : memref<8x128xf32, #tpu.memory_space<vmem>>, vector<1x16xf32>,
      %swap3A_255 = vector.shape_cast %swap3A_254 : vector<1x16xf32> to vector<16xf32>
      %swap3A_256 = vector.shape_cast %add3A_250 : vector<16xf32> to vector<1x16xf32>
      tpu.vector_store %arg6[%swap3A_252, %swap3A_253], %swap3A_256 {strides = array<i32>} : memref<8x128xf32, #tpu.memory_space<vmem>>, vector<1x16xf32>,
      %get3A_257 = arith.constant 2 : i32
      %get3A_258 = arith.index_cast %get3A_257 : i32 to index
      %get3A_259 = arith.constant 32 : index
      %get3A_260 = tpu.vector_load %arg6[%get3A_258, %get3A_259] {strides = array<i32>} : memref<8x128xf32, #tpu.memory_space<vmem>>, vector<1x16xf32>,
      %get3A_261 = vector.shape_cast %get3A_260 : vector<1x16xf32> to vector<16xf32>
      %add3A_262 = arith.constant 1.000000e+00 : f32
      %add3A_263 = vector.broadcast %add3A_262 : f32 to vector<16xf32>
      %add3A_264 = arith.addf %get3A_261, %add3A_263 : vector<16xf32>
      %swap3A_265 = arith.constant 2 : i32
      %swap3A_266 = arith.index_cast %swap3A_265 : i32 to index
      %swap3A_267 = arith.constant 32 : index
      %swap3A_268 = tpu.vector_load %arg6[%swap3A_266, %swap3A_267] {strides = array<i32>} : memref<8x128xf32, #tpu.memory_space<vmem>>, vector<1x16xf32>,
      %swap3A_269 = vector.shape_cast %swap3A_268 : vector<1x16xf32> to vector<16xf32>
      %swap3A_270 = vector.shape_cast %add3A_264 : vector<16xf32> to vector<1x16xf32>
      tpu.vector_store %arg6[%swap3A_266, %swap3A_267], %swap3A_270 {strides = array<i32>} : memref<8x128xf32, #tpu.memory_space<vmem>>, vector<1x16xf32>,
      %get3A_271 = arith.constant 2 : i32
      %get3A_272 = arith.index_cast %get3A_271 : i32 to index
      %get3A_273 = arith.constant 48 : index
      %get3A_274 = tpu.vector_load %arg6[%get3A_272, %get3A_273] {strides = array<i32>} : memref<8x128xf32, #tpu.memory_space<vmem>>, vector<1x16xf32>,
      %get3A_275 = vector.shape_cast %get3A_274 : vector<1x16xf32> to vector<16xf32>
      %add3A_276 = arith.constant 1.000000e+00 : f32
      %add3A_277 = vector.broadcast %add3A_276 : f32 to vector<16xf32>
      %add3A_278 = arith.addf %get3A_275, %add3A_277 : vector<16xf32>
      %swap3A_279 = arith.constant 2 : i32
      %swap3A_280 = arith.index_cast %swap3A_279 : i32 to index
      %swap3A_281 = arith.constant 48 : index
      %swap3A_282 = tpu.vector_load %arg6[%swap3A_280, %swap3A_281] {strides = array<i32>} : memref<8x128xf32, #tpu.memory_space<vmem>>, vector<1x16xf32>,
      %swap3A_283 = vector.shape_cast %swap3A_282 : vector<1x16xf32> to vector<16xf32>
      %swap3A_284 = vector.shape_cast %add3A_278 : vector<16xf32> to vector<1x16xf32>
      tpu.vector_store %arg6[%swap3A_280, %swap3A_281], %swap3A_284 {strides = array<i32>} : memref<8x128xf32, #tpu.memory_space<vmem>>, vector<1x16xf32>,
      %get3A_285 = arith.constant 2 : i32
      %get3A_286 = arith.index_cast %get3A_285 : i32 to index
      %get3A_287 = arith.constant 64 : index
      %get3A_288 = tpu.vector_load %arg6[%get3A_286, %get3A_287] {strides = array<i32>} : memref<8x128xf32, #tpu.memory_space<vmem>>, vector<1x16xf32>,
      %get3A_289 = vector.shape_cast %get3A_288 : vector<1x16xf32> to vector<16xf32>
      %add3A_290 = arith.constant 1.000000e+00 : f32
      %add3A_291 = vector.broadcast %add3A_290 : f32 to vector<16xf32>
      %add3A_292 = arith.addf %get3A_289, %add3A_291 : vector<16xf32>
      %swap3A_293 = arith.constant 2 : i32
      %swap3A_294 = arith.index_cast %swap3A_293 : i32 to index
      %swap3A_295 = arith.constant 64 : index
      %swap3A_296 = tpu.vector_load %arg6[%swap3A_294, %swap3A_295] {strides = array<i32>} : memref<8x128xf32, #tpu.memory_space<vmem>>, vector<1x16xf32>,
      %swap3A_297 = vector.shape_cast %swap3A_296 : vector<1x16xf32> to vector<16xf32>
      %swap3A_298 = vector.shape_cast %add3A_292 : vector<16xf32> to vector<1x16xf32>
      tpu.vector_store %arg6[%swap3A_294, %swap3A_295], %swap3A_298 {strides = array<i32>} : memref<8x128xf32, #tpu.memory_space<vmem>>, vector<1x16xf32>,
      %get3A_299 = arith.constant 2 : i32
      %get3A_300 = arith.index_cast %get3A_299 : i32 to index
      %get3A_301 = arith.constant 80 : index
      %get3A_302 = tpu.vector_load %arg6[%get3A_300, %get3A_301] {strides = array<i32>} : memref<8x128xf32, #tpu.memory_space<vmem>>, vector<1x16xf32>,
      %get3A_303 = vector.shape_cast %get3A_302 : vector<1x16xf32> to vector<16xf32>
      %add3A_304 = arith.constant 1.000000e+00 : f32
      %add3A_305 = vector.broadcast %add3A_304 : f32 to vector<16xf32>
      %add3A_306 = arith.addf %get3A_303, %add3A_305 : vector<16xf32>
      %swap3A_307 = arith.constant 2 : i32
      %swap3A_308 = arith.index_cast %swap3A_307 : i32 to index
      %swap3A_309 = arith.constant 80 : index
      %swap3A_310 = tpu.vector_load %arg6[%swap3A_308, %swap3A_309] {strides = array<i32>} : memref<8x128xf32, #tpu.memory_space<vmem>>, vector<1x16xf32>,
      %swap3A_311 = vector.shape_cast %swap3A_310 : vector<1x16xf32> to vector<16xf32>
      %swap3A_312 = vector.shape_cast %add3A_306 : vector<16xf32> to vector<1x16xf32>
      tpu.vector_store %arg6[%swap3A_308, %swap3A_309], %swap3A_312 {strides = array<i32>} : memref<8x128xf32, #tpu.memory_space<vmem>>, vector<1x16xf32>,
      %get3A_313 = arith.constant 2 : i32
      %get3A_314 = arith.index_cast %get3A_313 : i32 to index
      %get3A_315 = arith.constant 96 : index
      %get3A_316 = tpu.vector_load %arg6[%get3A_314, %get3A_315] {strides = array<i32>} : memref<8x128xf32, #tpu.memory_space<vmem>>, vector<1x16xf32>,
      %get3A_317 = vector.shape_cast %get3A_316 : vector<1x16xf32> to vector<16xf32>
      %add3A_318 = arith.constant 1.000000e+00 : f32
      %add3A_319 = vector.broadcast %add3A_318 : f32 to vector<16xf32>
      %add3A_320 = arith.addf %get3A_317, %add3A_319 : vector<16xf32>
      %swap3A_321 = arith.constant 2 : i32
      %swap3A_322 = arith.index_cast %swap3A_321 : i32 to index
      %swap3A_323 = arith.constant 96 : index
      %swap3A_324 = tpu.vector_load %arg6[%swap3A_322, %swap3A_323] {strides = array<i32>} : memref<8x128xf32, #tpu.memory_space<vmem>>, vector<1x16xf32>,
      %swap3A_325 = vector.shape_cast %swap3A_324 : vector<1x16xf32> to vector<16xf32>
      %swap3A_326 = vector.shape_cast %add3A_320 : vector<16xf32> to vector<1x16xf32>
      tpu.vector_store %arg6[%swap3A_322, %swap3A_323], %swap3A_326 {strides = array<i32>} : memref<8x128xf32, #tpu.memory_space<vmem>>, vector<1x16xf32>,
      %get3A_327 = arith.constant 2 : i32
      %get3A_328 = arith.index_cast %get3A_327 : i32 to index
      %get3A_329 = arith.constant 112 : index
      %get3A_330 = tpu.vector_load %arg6[%get3A_328, %get3A_329] {strides = array<i32>} : memref<8x128xf32, #tpu.memory_space<vmem>>, vector<1x16xf32>,
      %get3A_331 = vector.shape_cast %get3A_330 : vector<1x16xf32> to vector<16xf32>
      %add3A_332 = arith.constant 1.000000e+00 : f32
      %add3A_333 = vector.broadcast %add3A_332 : f32 to vector<16xf32>
      %add3A_334 = arith.addf %get3A_331, %add3A_333 : vector<16xf32>
      %swap3A_335 = arith.constant 2 : i32
      %swap3A_336 = arith.index_cast %swap3A_335 : i32 to index
      %swap3A_337 = arith.constant 112 : index
      %swap3A_338 = tpu.vector_load %arg6[%swap3A_336, %swap3A_337] {strides = array<i32>} : memref<8x128xf32, #tpu.memory_space<vmem>>, vector<1x16xf32>,
      %swap3A_339 = vector.shape_cast %swap3A_338 : vector<1x16xf32> to vector<16xf32>
      %swap3A_340 = vector.shape_cast %add3A_334 : vector<16xf32> to vector<1x16xf32>
      tpu.vector_store %arg6[%swap3A_336, %swap3A_337], %swap3A_340 {strides = array<i32>} : memref<8x128xf32, #tpu.memory_space<vmem>>, vector<1x16xf32>,
      %get3A_341 = arith.constant 3 : i32
      %get3A_342 = arith.index_cast %get3A_341 : i32 to index
      %get3A_343 = arith.constant 0 : index
      %get3A_344 = tpu.vector_load %arg6[%get3A_342, %get3A_343] {strides = array<i32>} : memref<8x128xf32, #tpu.memory_space<vmem>>, vector<1x16xf32>,
      %get3A_345 = vector.shape_cast %get3A_344 : vector<1x16xf32> to vector<16xf32>
      %add3A_346 = arith.constant 1.000000e+00 : f32
      %add3A_347 = vector.broadcast %add3A_346 : f32 to vector<16xf32>
      %add3A_348 = arith.addf %get3A_345, %add3A_347 : vector<16xf32>
      %swap3A_349 = arith.constant 3 : i32
      %swap3A_350 = arith.index_cast %swap3A_349 : i32 to index
      %swap3A_351 = arith.constant 0 : index
      %swap3A_352 = tpu.vector_load %arg6[%swap3A_350, %swap3A_351] {strides = array<i32>} : memref<8x128xf32, #tpu.memory_space<vmem>>, vector<1x16xf32>,
      %swap3A_353 = vector.shape_cast %swap3A_352 : vector<1x16xf32> to vector<16xf32>
      %swap3A_354 = vector.shape_cast %add3A_348 : vector<16xf32> to vector<1x16xf32>
      tpu.vector_store %arg6[%swap3A_350, %swap3A_351], %swap3A_354 {strides = array<i32>} : memref<8x128xf32, #tpu.memory_space<vmem>>, vector<1x16xf32>,
      %get3A_355 = arith.constant 3 : i32
      %get3A_356 = arith.index_cast %get3A_355 : i32 to index
      %get3A_357 = arith.constant 16 : index
      %get3A_358 = tpu.vector_load %arg6[%get3A_356, %get3A_357] {strides = array<i32>} : memref<8x128xf32, #tpu.memory_space<vmem>>, vector<1x16xf32>,
      %get3A_359 = vector.shape_cast %get3A_358 : vector<1x16xf32> to vector<16xf32>
      %add3A_360 = arith.constant 1.000000e+00 : f32
      %add3A_361 = vector.broadcast %add3A_360 : f32 to vector<16xf32>
      %add3A_362 = arith.addf %get3A_359, %add3A_361 : vector<16xf32>
      %swap3A_363 = arith.constant 3 : i32
      %swap3A_364 = arith.index_cast %swap3A_363 : i32 to index
      %swap3A_365 = arith.constant 16 : index
      %swap3A_366 = tpu.vector_load %arg6[%swap3A_364, %swap3A_365] {strides = array<i32>} : memref<8x128xf32, #tpu.memory_space<vmem>>, vector<1x16xf32>,
      %swap3A_367 = vector.shape_cast %swap3A_366 : vector<1x16xf32> to vector<16xf32>
      %swap3A_368 = vector.shape_cast %add3A_362 : vector<16xf32> to vector<1x16xf32>
      tpu.vector_store %arg6[%swap3A_364, %swap3A_365], %swap3A_368 {strides = array<i32>} : memref<8x128xf32, #tpu.memory_space<vmem>>, vector<1x16xf32>,
      %get3A_369 = arith.constant 3 : i32
      %get3A_370 = arith.index_cast %get3A_369 : i32 to index
      %get3A_371 = arith.constant 32 : index
      %get3A_372 = tpu.vector_load %arg6[%get3A_370, %get3A_371] {strides = array<i32>} : memref<8x128xf32, #tpu.memory_space<vmem>>, vector<1x16xf32>,
      %get3A_373 = vector.shape_cast %get3A_372 : vector<1x16xf32> to vector<16xf32>
      %add3A_374 = arith.constant 1.000000e+00 : f32
      %add3A_375 = vector.broadcast %add3A_374 : f32 to vector<16xf32>
      %add3A_376 = arith.addf %get3A_373, %add3A_375 : vector<16xf32>
      %swap3A_377 = arith.constant 3 : i32
      %swap3A_378 = arith.index_cast %swap3A_377 : i32 to index
      %swap3A_379 = arith.constant 32 : index
      %swap3A_380 = tpu.vector_load %arg6[%swap3A_378, %swap3A_379] {strides = array<i32>} : memref<8x128xf32, #tpu.memory_space<vmem>>, vector<1x16xf32>,
      %swap3A_381 = vector.shape_cast %swap3A_380 : vector<1x16xf32> to vector<16xf32>
      %swap3A_382 = vector.shape_cast %add3A_376 : vector<16xf32> to vector<1x16xf32>
      tpu.vector_store %arg6[%swap3A_378, %swap3A_379], %swap3A_382 {strides = array<i32>} : memref<8x128xf32, #tpu.memory_space<vmem>>, vector<1x16xf32>,
      %get3A_383 = arith.constant 3 : i32
      %get3A_384 = arith.index_cast %get3A_383 : i32 to index
      %get3A_385 = arith.constant 48 : index
      %get3A_386 = tpu.vector_load %arg6[%get3A_384, %get3A_385] {strides = array<i32>} : memref<8x128xf32, #tpu.memory_space<vmem>>, vector<1x16xf32>,
      %get3A_387 = vector.shape_cast %get3A_386 : vector<1x16xf32> to vector<16xf32>
      %add3A_388 = arith.constant 1.000000e+00 : f32
      %add3A_389 = vector.broadcast %add3A_388 : f32 to vector<16xf32>
      %add3A_390 = arith.addf %get3A_387, %add3A_389 : vector<16xf32>
      %swap3A_391 = arith.constant 3 : i32
      %swap3A_392 = arith.index_cast %swap3A_391 : i32 to index
      %swap3A_393 = arith.constant 48 : index
      %swap3A_394 = tpu.vector_load %arg6[%swap3A_392, %swap3A_393] {strides = array<i32>} : memref<8x128xf32, #tpu.memory_space<vmem>>, vector<1x16xf32>,
      %swap3A_395 = vector.shape_cast %swap3A_394 : vector<1x16xf32> to vector<16xf32>
      %swap3A_396 = vector.shape_cast %add3A_390 : vector<16xf32> to vector<1x16xf32>
      tpu.vector_store %arg6[%swap3A_392, %swap3A_393], %swap3A_396 {strides = array<i32>} : memref<8x128xf32, #tpu.memory_space<vmem>>, vector<1x16xf32>,
      %get3A_397 = arith.constant 3 : i32
      %get3A_398 = arith.index_cast %get3A_397 : i32 to index
      %get3A_399 = arith.constant 64 : index
      %get3A_400 = tpu.vector_load %arg6[%get3A_398, %get3A_399] {strides = array<i32>} : memref<8x128xf32, #tpu.memory_space<vmem>>, vector<1x16xf32>,
      %get3A_401 = vector.shape_cast %get3A_400 : vector<1x16xf32> to vector<16xf32>
      %add3A_402 = arith.constant 1.000000e+00 : f32
      %add3A_403 = vector.broadcast %add3A_402 : f32 to vector<16xf32>
      %add3A_404 = arith.addf %get3A_401, %add3A_403 : vector<16xf32>
      %swap3A_405 = arith.constant 3 : i32
      %swap3A_406 = arith.index_cast %swap3A_405 : i32 to index
      %swap3A_407 = arith.constant 64 : index
      %swap3A_408 = tpu.vector_load %arg6[%swap3A_406, %swap3A_407] {strides = array<i32>} : memref<8x128xf32, #tpu.memory_space<vmem>>, vector<1x16xf32>,
      %swap3A_409 = vector.shape_cast %swap3A_408 : vector<1x16xf32> to vector<16xf32>
      %swap3A_410 = vector.shape_cast %add3A_404 : vector<16xf32> to vector<1x16xf32>
      tpu.vector_store %arg6[%swap3A_406, %swap3A_407], %swap3A_410 {strides = array<i32>} : memref<8x128xf32, #tpu.memory_space<vmem>>, vector<1x16xf32>,
      %get3A_411 = arith.constant 3 : i32
      %get3A_412 = arith.index_cast %get3A_411 : i32 to index
      %get3A_413 = arith.constant 80 : index
      %get3A_414 = tpu.vector_load %arg6[%get3A_412, %get3A_413] {strides = array<i32>} : memref<8x128xf32, #tpu.memory_space<vmem>>, vector<1x16xf32>,
      %get3A_415 = vector.shape_cast %get3A_414 : vector<1x16xf32> to vector<16xf32>
      %add3A_416 = arith.constant 1.000000e+00 : f32
      %add3A_417 = vector.broadcast %add3A_416 : f32 to vector<16xf32>
      %add3A_418 = arith.addf %get3A_415, %add3A_417 : vector<16xf32>
      %swap3A_419 = arith.constant 3 : i32
      %swap3A_420 = arith.index_cast %swap3A_419 : i32 to index
      %swap3A_421 = arith.constant 80 : index
      %swap3A_422 = tpu.vector_load %arg6[%swap3A_420, %swap3A_421] {strides = array<i32>} : memref<8x128xf32, #tpu.memory_space<vmem>>, vector<1x16xf32>,
      %swap3A_423 = vector.shape_cast %swap3A_422 : vector<1x16xf32> to vector<16xf32>
      %swap3A_424 = vector.shape_cast %add3A_418 : vector<16xf32> to vector<1x16xf32>
      tpu.vector_store %arg6[%swap3A_420, %swap3A_421], %swap3A_424 {strides = array<i32>} : memref<8x128xf32, #tpu.memory_space<vmem>>, vector<1x16xf32>,
      %get3A_425 = arith.constant 3 : i32
      %get3A_426 = arith.index_cast %get3A_425 : i32 to index
      %get3A_427 = arith.constant 96 : index
      %get3A_428 = tpu.vector_load %arg6[%get3A_426, %get3A_427] {strides = array<i32>} : memref<8x128xf32, #tpu.memory_space<vmem>>, vector<1x16xf32>,
      %get3A_429 = vector.shape_cast %get3A_428 : vector<1x16xf32> to vector<16xf32>
      %add3A_430 = arith.constant 1.000000e+00 : f32
      %add3A_431 = vector.broadcast %add3A_430 : f32 to vector<16xf32>
      %add3A_432 = arith.addf %get3A_429, %add3A_431 : vector<16xf32>
      %swap3A_433 = arith.constant 3 : i32
      %swap3A_434 = arith.index_cast %swap3A_433 : i32 to index
      %swap3A_435 = arith.constant 96 : index
      %swap3A_436 = tpu.vector_load %arg6[%swap3A_434, %swap3A_435] {strides = array<i32>} : memref<8x128xf32, #tpu.memory_space<vmem>>, vector<1x16xf32>,
      %swap3A_437 = vector.shape_cast %swap3A_436 : vector<1x16xf32> to vector<16xf32>
      %swap3A_438 = vector.shape_cast %add3A_432 : vector<16xf32> to vector<1x16xf32>
      tpu.vector_store %arg6[%swap3A_434, %swap3A_435], %swap3A_438 {strides = array<i32>} : memref<8x128xf32, #tpu.memory_space<vmem>>, vector<1x16xf32>,
      %get3A_439 = arith.constant 3 : i32
      %get3A_440 = arith.index_cast %get3A_439 : i32 to index
      %get3A_441 = arith.constant 112 : index
      %get3A_442 = tpu.vector_load %arg6[%get3A_440, %get3A_441] {strides = array<i32>} : memref<8x128xf32, #tpu.memory_space<vmem>>, vector<1x16xf32>,
      %get3A_443 = vector.shape_cast %get3A_442 : vector<1x16xf32> to vector<16xf32>
      %add3A_444 = arith.constant 1.000000e+00 : f32
      %add3A_445 = vector.broadcast %add3A_444 : f32 to vector<16xf32>
      %add3A_446 = arith.addf %get3A_443, %add3A_445 : vector<16xf32>
      %swap3A_447 = arith.constant 3 : i32
      %swap3A_448 = arith.index_cast %swap3A_447 : i32 to index
      %swap3A_449 = arith.constant 112 : index
      %swap3A_450 = tpu.vector_load %arg6[%swap3A_448, %swap3A_449] {strides = array<i32>} : memref<8x128xf32, #tpu.memory_space<vmem>>, vector<1x16xf32>,
      %swap3A_451 = vector.shape_cast %swap3A_450 : vector<1x16xf32> to vector<16xf32>
      %swap3A_452 = vector.shape_cast %add3A_446 : vector<16xf32> to vector<1x16xf32>
      tpu.vector_store %arg6[%swap3A_448, %swap3A_449], %swap3A_452 {strides = array<i32>} : memref<8x128xf32, #tpu.memory_space<vmem>>, vector<1x16xf32>,
      %get3A_453 = arith.constant 4 : i32
      %get3A_454 = arith.index_cast %get3A_453 : i32 to index
      %get3A_455 = arith.constant 0 : index
      %get3A_456 = tpu.vector_load %arg6[%get3A_454, %get3A_455] {strides = array<i32>} : memref<8x128xf32, #tpu.memory_space<vmem>>, vector<1x16xf32>,
      %get3A_457 = vector.shape_cast %get3A_456 : vector<1x16xf32> to vector<16xf32>
      %add3A_458 = arith.constant 1.000000e+00 : f32
      %add3A_459 = vector.broadcast %add3A_458 : f32 to vector<16xf32>
      %add3A_460 = arith.addf %get3A_457, %add3A_459 : vector<16xf32>
      %swap3A_461 = arith.constant 4 : i32
      %swap3A_462 = arith.index_cast %swap3A_461 : i32 to index
      %swap3A_463 = arith.constant 0 : index
      %swap3A_464 = tpu.vector_load %arg6[%swap3A_462, %swap3A_463] {strides = array<i32>} : memref<8x128xf32, #tpu.memory_space<vmem>>, vector<1x16xf32>,
      %swap3A_465 = vector.shape_cast %swap3A_464 : vector<1x16xf32> to vector<16xf32>
      %swap3A_466 = vector.shape_cast %add3A_460 : vector<16xf32> to vector<1x16xf32>
      tpu.vector_store %arg6[%swap3A_462, %swap3A_463], %swap3A_466 {strides = array<i32>} : memref<8x128xf32, #tpu.memory_space<vmem>>, vector<1x16xf32>,
      %get3A_467 = arith.constant 4 : i32
      %get3A_468 = arith.index_cast %get3A_467 : i32 to index
      %get3A_469 = arith.constant 16 : index
      %get3A_470 = tpu.vector_load %arg6[%get3A_468, %get3A_469] {strides = array<i32>} : memref<8x128xf32, #tpu.memory_space<vmem>>, vector<1x16xf32>,
      %get3A_471 = vector.shape_cast %get3A_470 : vector<1x16xf32> to vector<16xf32>
      %add3A_472 = arith.constant 1.000000e+00 : f32
      %add3A_473 = vector.broadcast %add3A_472 : f32 to vector<16xf32>
      %add3A_474 = arith.addf %get3A_471, %add3A_473 : vector<16xf32>
      %swap3A_475 = arith.constant 4 : i32
      %swap3A_476 = arith.index_cast %swap3A_475 : i32 to index
      %swap3A_477 = arith.constant 16 : index
      %swap3A_478 = tpu.vector_load %arg6[%swap3A_476, %swap3A_477] {strides = array<i32>} : memref<8x128xf32, #tpu.memory_space<vmem>>, vector<1x16xf32>,
      %swap3A_479 = vector.shape_cast %swap3A_478 : vector<1x16xf32> to vector<16xf32>
      %swap3A_480 = vector.shape_cast %add3A_474 : vector<16xf32> to vector<1x16xf32>
      tpu.vector_store %arg6[%swap3A_476, %swap3A_477], %swap3A_480 {strides = array<i32>} : memref<8x128xf32, #tpu.memory_space<vmem>>, vector<1x16xf32>,
      %get3A_481 = arith.constant 4 : i32
      %get3A_482 = arith.index_cast %get3A_481 : i32 to index
      %get3A_483 = arith.constant 32 : index
      %get3A_484 = tpu.vector_load %arg6[%get3A_482, %get3A_483] {strides = array<i32>} : memref<8x128xf32, #tpu.memory_space<vmem>>, vector<1x16xf32>,
      %get3A_485 = vector.shape_cast %get3A_484 : vector<1x16xf32> to vector<16xf32>
      %add3A_486 = arith.constant 1.000000e+00 : f32
      %add3A_487 = vector.broadcast %add3A_486 : f32 to vector<16xf32>
      %add3A_488 = arith.addf %get3A_485, %add3A_487 : vector<16xf32>
      %swap3A_489 = arith.constant 4 : i32
      %swap3A_490 = arith.index_cast %swap3A_489 : i32 to index
      %swap3A_491 = arith.constant 32 : index
      %swap3A_492 = tpu.vector_load %arg6[%swap3A_490, %swap3A_491] {strides = array<i32>} : memref<8x128xf32, #tpu.memory_space<vmem>>, vector<1x16xf32>,
      %swap3A_493 = vector.shape_cast %swap3A_492 : vector<1x16xf32> to vector<16xf32>
      %swap3A_494 = vector.shape_cast %add3A_488 : vector<16xf32> to vector<1x16xf32>
      tpu.vector_store %arg6[%swap3A_490, %swap3A_491], %swap3A_494 {strides = array<i32>} : memref<8x128xf32, #tpu.memory_space<vmem>>, vector<1x16xf32>,
      %get3A_495 = arith.constant 4 : i32
      %get3A_496 = arith.index_cast %get3A_495 : i32 to index
      %get3A_497 = arith.constant 48 : index
      %get3A_498 = tpu.vector_load %arg6[%get3A_496, %get3A_497] {strides = array<i32>} : memref<8x128xf32, #tpu.memory_space<vmem>>, vector<1x16xf32>,
      %get3A_499 = vector.shape_cast %get3A_498 : vector<1x16xf32> to vector<16xf32>
      %add3A_500 = arith.constant 1.000000e+00 : f32
      %add3A_501 = vector.broadcast %add3A_500 : f32 to vector<16xf32>
      %add3A_502 = arith.addf %get3A_499, %add3A_501 : vector<16xf32>
      %swap3A_503 = arith.constant 4 : i32
      %swap3A_504 = arith.index_cast %swap3A_503 : i32 to index
      %swap3A_505 = arith.constant 48 : index
      %swap3A_506 = tpu.vector_load %arg6[%swap3A_504, %swap3A_505] {strides = array<i32>} : memref<8x128xf32, #tpu.memory_space<vmem>>, vector<1x16xf32>,
      %swap3A_507 = vector.shape_cast %swap3A_506 : vector<1x16xf32> to vector<16xf32>
      %swap3A_508 = vector.shape_cast %add3A_502 : vector<16xf32> to vector<1x16xf32>
      tpu.vector_store %arg6[%swap3A_504, %swap3A_505], %swap3A_508 {strides = array<i32>} : memref<8x128xf32, #tpu.memory_space<vmem>>, vector<1x16xf32>,
      %get3A_509 = arith.constant 4 : i32
      %get3A_510 = arith.index_cast %get3A_509 : i32 to index
      %get3A_511 = arith.constant 64 : index
      %get3A_512 = tpu.vector_load %arg6[%get3A_510, %get3A_511] {strides = array<i32>} : memref<8x128xf32, #tpu.memory_space<vmem>>, vector<1x16xf32>,
      %get3A_513 = vector.shape_cast %get3A_512 : vector<1x16xf32> to vector<16xf32>
      %add3A_514 = arith.constant 1.000000e+00 : f32
      %add3A_515 = vector.broadcast %add3A_514 : f32 to vector<16xf32>
      %add3A_516 = arith.addf %get3A_513, %add3A_515 : vector<16xf32>
      %swap3A_517 = arith.constant 4 : i32
      %swap3A_518 = arith.index_cast %swap3A_517 : i32 to index
      %swap3A_519 = arith.constant 64 : index
      %swap3A_520 = tpu.vector_load %arg6[%swap3A_518, %swap3A_519] {strides = array<i32>} : memref<8x128xf32, #tpu.memory_space<vmem>>, vector<1x16xf32>,
      %swap3A_521 = vector.shape_cast %swap3A_520 : vector<1x16xf32> to vector<16xf32>
      %swap3A_522 = vector.shape_cast %add3A_516 : vector<16xf32> to vector<1x16xf32>
      tpu.vector_store %arg6[%swap3A_518, %swap3A_519], %swap3A_522 {strides = array<i32>} : memref<8x128xf32, #tpu.memory_space<vmem>>, vector<1x16xf32>,
      %get3A_523 = arith.constant 4 : i32
      %get3A_524 = arith.index_cast %get3A_523 : i32 to index
      %get3A_525 = arith.constant 80 : index
      %get3A_526 = tpu.vector_load %arg6[%get3A_524, %get3A_525] {strides = array<i32>} : memref<8x128xf32, #tpu.memory_space<vmem>>, vector<1x16xf32>,
      %get3A_527 = vector.shape_cast %get3A_526 : vector<1x16xf32> to vector<16xf32>
      %add3A_528 = arith.constant 1.000000e+00 : f32
      %add3A_529 = vector.broadcast %add3A_528 : f32 to vector<16xf32>
      %add3A_530 = arith.addf %get3A_527, %add3A_529 : vector<16xf32>
      %swap3A_531 = arith.constant 4 : i32
      %swap3A_532 = arith.index_cast %swap3A_531 : i32 to index
      %swap3A_533 = arith.constant 80 : index
      %swap3A_534 = tpu.vector_load %arg6[%swap3A_532, %swap3A_533] {strides = array<i32>} : memref<8x128xf32, #tpu.memory_space<vmem>>, vector<1x16xf32>,
      %swap3A_535 = vector.shape_cast %swap3A_534 : vector<1x16xf32> to vector<16xf32>
      %swap3A_536 = vector.shape_cast %add3A_530 : vector<16xf32> to vector<1x16xf32>
      tpu.vector_store %arg6[%swap3A_532, %swap3A_533], %swap3A_536 {strides = array<i32>} : memref<8x128xf32, #tpu.memory_space<vmem>>, vector<1x16xf32>,
      %get3A_537 = arith.constant 4 : i32
      %get3A_538 = arith.index_cast %get3A_537 : i32 to index
      %get3A_539 = arith.constant 96 : index
      %get3A_540 = tpu.vector_load %arg6[%get3A_538, %get3A_539] {strides = array<i32>} : memref<8x128xf32, #tpu.memory_space<vmem>>, vector<1x16xf32>,
      %get3A_541 = vector.shape_cast %get3A_540 : vector<1x16xf32> to vector<16xf32>
      %add3A_542 = arith.constant 1.000000e+00 : f32
      %add3A_543 = vector.broadcast %add3A_542 : f32 to vector<16xf32>
      %add3A_544 = arith.addf %get3A_541, %add3A_543 : vector<16xf32>
      %swap3A_545 = arith.constant 4 : i32
      %swap3A_546 = arith.index_cast %swap3A_545 : i32 to index
      %swap3A_547 = arith.constant 96 : index
      %swap3A_548 = tpu.vector_load %arg6[%swap3A_546, %swap3A_547] {strides = array<i32>} : memref<8x128xf32, #tpu.memory_space<vmem>>, vector<1x16xf32>,
      %swap3A_549 = vector.shape_cast %swap3A_548 : vector<1x16xf32> to vector<16xf32>
      %swap3A_550 = vector.shape_cast %add3A_544 : vector<16xf32> to vector<1x16xf32>
      tpu.vector_store %arg6[%swap3A_546, %swap3A_547], %swap3A_550 {strides = array<i32>} : memref<8x128xf32, #tpu.memory_space<vmem>>, vector<1x16xf32>,
      %get3A_551 = arith.constant 4 : i32
      %get3A_552 = arith.index_cast %get3A_551 : i32 to index
      %get3A_553 = arith.constant 112 : index
      %get3A_554 = tpu.vector_load %arg6[%get3A_552, %get3A_553] {strides = array<i32>} : memref<8x128xf32, #tpu.memory_space<vmem>>, vector<1x16xf32>,
      %get3A_555 = vector.shape_cast %get3A_554 : vector<1x16xf32> to vector<16xf32>
      %add3A_556 = arith.constant 1.000000e+00 : f32
      %add3A_557 = vector.broadcast %add3A_556 : f32 to vector<16xf32>
      %add3A_558 = arith.addf %get3A_555, %add3A_557 : vector<16xf32>
      %swap3A_559 = arith.constant 4 : i32
      %swap3A_560 = arith.index_cast %swap3A_559 : i32 to index
      %swap3A_561 = arith.constant 112 : index
      %swap3A_562 = tpu.vector_load %arg6[%swap3A_560, %swap3A_561] {strides = array<i32>} : memref<8x128xf32, #tpu.memory_space<vmem>>, vector<1x16xf32>,
      %swap3A_563 = vector.shape_cast %swap3A_562 : vector<1x16xf32> to vector<16xf32>
      %swap3A_564 = vector.shape_cast %add3A_558 : vector<16xf32> to vector<1x16xf32>
      tpu.vector_store %arg6[%swap3A_560, %swap3A_561], %swap3A_564 {strides = array<i32>} : memref<8x128xf32, #tpu.memory_space<vmem>>, vector<1x16xf32>,
      %get3A_565 = arith.constant 5 : i32
      %get3A_566 = arith.index_cast %get3A_565 : i32 to index
      %get3A_567 = arith.constant 0 : index
      %get3A_568 = tpu.vector_load %arg6[%get3A_566, %get3A_567] {strides = array<i32>} : memref<8x128xf32, #tpu.memory_space<vmem>>, vector<1x16xf32>,
      %get3A_569 = vector.shape_cast %get3A_568 : vector<1x16xf32> to vector<16xf32>
      %add3A_570 = arith.constant 1.000000e+00 : f32
      %add3A_571 = vector.broadcast %add3A_570 : f32 to vector<16xf32>
      %add3A_572 = arith.addf %get3A_569, %add3A_571 : vector<16xf32>
      %swap3A_573 = arith.constant 5 : i32
      %swap3A_574 = arith.index_cast %swap3A_573 : i32 to index
      %swap3A_575 = arith.constant 0 : index
      %swap3A_576 = tpu.vector_load %arg6[%swap3A_574, %swap3A_575] {strides = array<i32>} : memref<8x128xf32, #tpu.memory_space<vmem>>, vector<1x16xf32>,
      %swap3A_577 = vector.shape_cast %swap3A_576 : vector<1x16xf32> to vector<16xf32>
      %swap3A_578 = vector.shape_cast %add3A_572 : vector<16xf32> to vector<1x16xf32>
      tpu.vector_store %arg6[%swap3A_574, %swap3A_575], %swap3A_578 {strides = array<i32>} : memref<8x128xf32, #tpu.memory_space<vmem>>, vector<1x16xf32>,
      %get3A_579 = arith.constant 5 : i32
      %get3A_580 = arith.index_cast %get3A_579 : i32 to index
      %get3A_581 = arith.constant 16 : index
      %get3A_582 = tpu.vector_load %arg6[%get3A_580, %get3A_581] {strides = array<i32>} : memref<8x128xf32, #tpu.memory_space<vmem>>, vector<1x16xf32>,
      %get3A_583 = vector.shape_cast %get3A_582 : vector<1x16xf32> to vector<16xf32>
      %add3A_584 = arith.constant 1.000000e+00 : f32
      %add3A_585 = vector.broadcast %add3A_584 : f32 to vector<16xf32>
      %add3A_586 = arith.addf %get3A_583, %add3A_585 : vector<16xf32>
      %swap3A_587 = arith.constant 5 : i32
      %swap3A_588 = arith.index_cast %swap3A_587 : i32 to index
      %swap3A_589 = arith.constant 16 : index
      %swap3A_590 = tpu.vector_load %arg6[%swap3A_588, %swap3A_589] {strides = array<i32>} : memref<8x128xf32, #tpu.memory_space<vmem>>, vector<1x16xf32>,
      %swap3A_591 = vector.shape_cast %swap3A_590 : vector<1x16xf32> to vector<16xf32>
      %swap3A_592 = vector.shape_cast %add3A_586 : vector<16xf32> to vector<1x16xf32>
      tpu.vector_store %arg6[%swap3A_588, %swap3A_589], %swap3A_592 {strides = array<i32>} : memref<8x128xf32, #tpu.memory_space<vmem>>, vector<1x16xf32>,
      %get3A_593 = arith.constant 5 : i32
      %get3A_594 = arith.index_cast %get3A_593 : i32 to index
      %get3A_595 = arith.constant 32 : index
      %get3A_596 = tpu.vector_load %arg6[%get3A_594, %get3A_595] {strides = array<i32>} : memref<8x128xf32, #tpu.memory_space<vmem>>, vector<1x16xf32>,
      %get3A_597 = vector.shape_cast %get3A_596 : vector<1x16xf32> to vector<16xf32>
      %add3A_598 = arith.constant 1.000000e+00 : f32
      %add3A_599 = vector.broadcast %add3A_598 : f32 to vector<16xf32>
      %add3A_600 = arith.addf %get3A_597, %add3A_599 : vector<16xf32>
      %swap3A_601 = arith.constant 5 : i32
      %swap3A_602 = arith.index_cast %swap3A_601 : i32 to index
      %swap3A_603 = arith.constant 32 : index
      %swap3A_604 = tpu.vector_load %arg6[%swap3A_602, %swap3A_603] {strides = array<i32>} : memref<8x128xf32, #tpu.memory_space<vmem>>, vector<1x16xf32>,
      %swap3A_605 = vector.shape_cast %swap3A_604 : vector<1x16xf32> to vector<16xf32>
      %swap3A_606 = vector.shape_cast %add3A_600 : vector<16xf32> to vector<1x16xf32>
      tpu.vector_store %arg6[%swap3A_602, %swap3A_603], %swap3A_606 {strides = array<i32>} : memref<8x128xf32, #tpu.memory_space<vmem>>, vector<1x16xf32>,
      %get3A_607 = arith.constant 5 : i32
      %get3A_608 = arith.index_cast %get3A_607 : i32 to index
      %get3A_609 = arith.constant 48 : index
      %get3A_610 = tpu.vector_load %arg6[%get3A_608, %get3A_609] {strides = array<i32>} : memref<8x128xf32, #tpu.memory_space<vmem>>, vector<1x16xf32>,
      %get3A_611 = vector.shape_cast %get3A_610 : vector<1x16xf32> to vector<16xf32>
      %add3A_612 = arith.constant 1.000000e+00 : f32
      %add3A_613 = vector.broadcast %add3A_612 : f32 to vector<16xf32>
      %add3A_614 = arith.addf %get3A_611, %add3A_613 : vector<16xf32>
      %swap3A_615 = arith.constant 5 : i32
      %swap3A_616 = arith.index_cast %swap3A_615 : i32 to index
      %swap3A_617 = arith.constant 48 : index
      %swap3A_618 = tpu.vector_load %arg6[%swap3A_616, %swap3A_617] {strides = array<i32>} : memref<8x128xf32, #tpu.memory_space<vmem>>, vector<1x16xf32>,
      %swap3A_619 = vector.shape_cast %swap3A_618 : vector<1x16xf32> to vector<16xf32>
      %swap3A_620 = vector.shape_cast %add3A_614 : vector<16xf32> to vector<1x16xf32>
      tpu.vector_store %arg6[%swap3A_616, %swap3A_617], %swap3A_620 {strides = array<i32>} : memref<8x128xf32, #tpu.memory_space<vmem>>, vector<1x16xf32>,
      %get3A_621 = arith.constant 5 : i32
      %get3A_622 = arith.index_cast %get3A_621 : i32 to index
      %get3A_623 = arith.constant 64 : index
      %get3A_624 = tpu.vector_load %arg6[%get3A_622, %get3A_623] {strides = array<i32>} : memref<8x128xf32, #tpu.memory_space<vmem>>, vector<1x16xf32>,
      %get3A_625 = vector.shape_cast %get3A_624 : vector<1x16xf32> to vector<16xf32>
      %add3A_626 = arith.constant 1.000000e+00 : f32
      %add3A_627 = vector.broadcast %add3A_626 : f32 to vector<16xf32>
      %add3A_628 = arith.addf %get3A_625, %add3A_627 : vector<16xf32>
      %swap3A_629 = arith.constant 5 : i32
      %swap3A_630 = arith.index_cast %swap3A_629 : i32 to index
      %swap3A_631 = arith.constant 64 : index
      %swap3A_632 = tpu.vector_load %arg6[%swap3A_630, %swap3A_631] {strides = array<i32>} : memref<8x128xf32, #tpu.memory_space<vmem>>, vector<1x16xf32>,
      %swap3A_633 = vector.shape_cast %swap3A_632 : vector<1x16xf32> to vector<16xf32>
      %swap3A_634 = vector.shape_cast %add3A_628 : vector<16xf32> to vector<1x16xf32>
      tpu.vector_store %arg6[%swap3A_630, %swap3A_631], %swap3A_634 {strides = array<i32>} : memref<8x128xf32, #tpu.memory_space<vmem>>, vector<1x16xf32>,
      %get3A_635 = arith.constant 5 : i32
      %get3A_636 = arith.index_cast %get3A_635 : i32 to index
      %get3A_637 = arith.constant 80 : index
      %get3A_638 = tpu.vector_load %arg6[%get3A_636, %get3A_637] {strides = array<i32>} : memref<8x128xf32, #tpu.memory_space<vmem>>, vector<1x16xf32>,
      %get3A_639 = vector.shape_cast %get3A_638 : vector<1x16xf32> to vector<16xf32>
      %add3A_640 = arith.constant 1.000000e+00 : f32
      %add3A_641 = vector.broadcast %add3A_640 : f32 to vector<16xf32>
      %add3A_642 = arith.addf %get3A_639, %add3A_641 : vector<16xf32>
      %swap3A_643 = arith.constant 5 : i32
      %swap3A_644 = arith.index_cast %swap3A_643 : i32 to index
      %swap3A_645 = arith.constant 80 : index
      %swap3A_646 = tpu.vector_load %arg6[%swap3A_644, %swap3A_645] {strides = array<i32>} : memref<8x128xf32, #tpu.memory_space<vmem>>, vector<1x16xf32>,
      %swap3A_647 = vector.shape_cast %swap3A_646 : vector<1x16xf32> to vector<16xf32>
      %swap3A_648 = vector.shape_cast %add3A_642 : vector<16xf32> to vector<1x16xf32>
      tpu.vector_store %arg6[%swap3A_644, %swap3A_645], %swap3A_648 {strides = array<i32>} : memref<8x128xf32, #tpu.memory_space<vmem>>, vector<1x16xf32>,
      %get3A_649 = arith.constant 5 : i32
      %get3A_650 = arith.index_cast %get3A_649 : i32 to index
      %get3A_651 = arith.constant 96 : index
      %get3A_652 = tpu.vector_load %arg6[%get3A_650, %get3A_651] {strides = array<i32>} : memref<8x128xf32, #tpu.memory_space<vmem>>, vector<1x16xf32>,
      %get3A_653 = vector.shape_cast %get3A_652 : vector<1x16xf32> to vector<16xf32>
      %add3A_654 = arith.constant 1.000000e+00 : f32
      %add3A_655 = vector.broadcast %add3A_654 : f32 to vector<16xf32>
      %add3A_656 = arith.addf %get3A_653, %add3A_655 : vector<16xf32>
      %swap3A_657 = arith.constant 5 : i32
      %swap3A_658 = arith.index_cast %swap3A_657 : i32 to index
      %swap3A_659 = arith.constant 96 : index
      %swap3A_660 = tpu.vector_load %arg6[%swap3A_658, %swap3A_659] {strides = array<i32>} : memref<8x128xf32, #tpu.memory_space<vmem>>, vector<1x16xf32>,
      %swap3A_661 = vector.shape_cast %swap3A_660 : vector<1x16xf32> to vector<16xf32>
      %swap3A_662 = vector.shape_cast %add3A_656 : vector<16xf32> to vector<1x16xf32>
      tpu.vector_store %arg6[%swap3A_658, %swap3A_659], %swap3A_662 {strides = array<i32>} : memref<8x128xf32, #tpu.memory_space<vmem>>, vector<1x16xf32>,
      %get3A_663 = arith.constant 5 : i32
      %get3A_664 = arith.index_cast %get3A_663 : i32 to index
      %get3A_665 = arith.constant 112 : index
      %get3A_666 = tpu.vector_load %arg6[%get3A_664, %get3A_665] {strides = array<i32>} : memref<8x128xf32, #tpu.memory_space<vmem>>, vector<1x16xf32>,
      %get3A_667 = vector.shape_cast %get3A_666 : vector<1x16xf32> to vector<16xf32>
      %add3A_668 = arith.constant 1.000000e+00 : f32
      %add3A_669 = vector.broadcast %add3A_668 : f32 to vector<16xf32>
      %add3A_670 = arith.addf %get3A_667, %add3A_669 : vector<16xf32>
      %swap3A_671 = arith.constant 5 : i32
      %swap3A_672 = arith.index_cast %swap3A_671 : i32 to index
      %swap3A_673 = arith.constant 112 : index
      %swap3A_674 = tpu.vector_load %arg6[%swap3A_672, %swap3A_673] {strides = array<i32>} : memref<8x128xf32, #tpu.memory_space<vmem>>, vector<1x16xf32>,
      %swap3A_675 = vector.shape_cast %swap3A_674 : vector<1x16xf32> to vector<16xf32>
      %swap3A_676 = vector.shape_cast %add3A_670 : vector<16xf32> to vector<1x16xf32>
      tpu.vector_store %arg6[%swap3A_672, %swap3A_673], %swap3A_676 {strides = array<i32>} : memref<8x128xf32, #tpu.memory_space<vmem>>, vector<1x16xf32>,
      %get3A_677 = arith.constant 6 : i32
      %get3A_678 = arith.index_cast %get3A_677 : i32 to index
      %get3A_679 = arith.constant 0 : index
      %get3A_680 = tpu.vector_load %arg6[%get3A_678, %get3A_679] {strides = array<i32>} : memref<8x128xf32, #tpu.memory_space<vmem>>, vector<1x16xf32>,
      %get3A_681 = vector.shape_cast %get3A_680 : vector<1x16xf32> to vector<16xf32>
      %add3A_682 = arith.constant 1.000000e+00 : f32
      %add3A_683 = vector.broadcast %add3A_682 : f32 to vector<16xf32>
      %add3A_684 = arith.addf %get3A_681, %add3A_683 : vector<16xf32>
      %swap3A_685 = arith.constant 6 : i32
      %swap3A_686 = arith.index_cast %swap3A_685 : i32 to index
      %swap3A_687 = arith.constant 0 : index
      %swap3A_688 = tpu.vector_load %arg6[%swap3A_686, %swap3A_687] {strides = array<i32>} : memref<8x128xf32, #tpu.memory_space<vmem>>, vector<1x16xf32>,
      %swap3A_689 = vector.shape_cast %swap3A_688 : vector<1x16xf32> to vector<16xf32>
      %swap3A_690 = vector.shape_cast %add3A_684 : vector<16xf32> to vector<1x16xf32>
      tpu.vector_store %arg6[%swap3A_686, %swap3A_687], %swap3A_690 {strides = array<i32>} : memref<8x128xf32, #tpu.memory_space<vmem>>, vector<1x16xf32>,
      %get3A_691 = arith.constant 6 : i32
      %get3A_692 = arith.index_cast %get3A_691 : i32 to index
      %get3A_693 = arith.constant 16 : index
      %get3A_694 = tpu.vector_load %arg6[%get3A_692, %get3A_693] {strides = array<i32>} : memref<8x128xf32, #tpu.memory_space<vmem>>, vector<1x16xf32>,
      %get3A_695 = vector.shape_cast %get3A_694 : vector<1x16xf32> to vector<16xf32>
      %add3A_696 = arith.constant 1.000000e+00 : f32
      %add3A_697 = vector.broadcast %add3A_696 : f32 to vector<16xf32>
      %add3A_698 = arith.addf %get3A_695, %add3A_697 : vector<16xf32>
      %swap3A_699 = arith.constant 6 : i32
      %swap3A_700 = arith.index_cast %swap3A_699 : i32 to index
      %swap3A_701 = arith.constant 16 : index
      %swap3A_702 = tpu.vector_load %arg6[%swap3A_700, %swap3A_701] {strides = array<i32>} : memref<8x128xf32, #tpu.memory_space<vmem>>, vector<1x16xf32>,
      %swap3A_703 = vector.shape_cast %swap3A_702 : vector<1x16xf32> to vector<16xf32>
      %swap3A_704 = vector.shape_cast %add3A_698 : vector<16xf32> to vector<1x16xf32>
      tpu.vector_store %arg6[%swap3A_700, %swap3A_701], %swap3A_704 {strides = array<i32>} : memref<8x128xf32, #tpu.memory_space<vmem>>, vector<1x16xf32>,
      %get3A_705 = arith.constant 6 : i32
      %get3A_706 = arith.index_cast %get3A_705 : i32 to index
      %get3A_707 = arith.constant 32 : index
      %get3A_708 = tpu.vector_load %arg6[%get3A_706, %get3A_707] {strides = array<i32>} : memref<8x128xf32, #tpu.memory_space<vmem>>, vector<1x16xf32>,
      %get3A_709 = vector.shape_cast %get3A_708 : vector<1x16xf32> to vector<16xf32>
      %add3A_710 = arith.constant 1.000000e+00 : f32
      %add3A_711 = vector.broadcast %add3A_710 : f32 to vector<16xf32>
      %add3A_712 = arith.addf %get3A_709, %add3A_711 : vector<16xf32>
      %swap3A_713 = arith.constant 6 : i32
      %swap3A_714 = arith.index_cast %swap3A_713 : i32 to index
      %swap3A_715 = arith.constant 32 : index
      %swap3A_716 = tpu.vector_load %arg6[%swap3A_714, %swap3A_715] {strides = array<i32>} : memref<8x128xf32, #tpu.memory_space<vmem>>, vector<1x16xf32>,
      %swap3A_717 = vector.shape_cast %swap3A_716 : vector<1x16xf32> to vector<16xf32>
      %swap3A_718 = vector.shape_cast %add3A_712 : vector<16xf32> to vector<1x16xf32>
      tpu.vector_store %arg6[%swap3A_714, %swap3A_715], %swap3A_718 {strides = array<i32>} : memref<8x128xf32, #tpu.memory_space<vmem>>, vector<1x16xf32>,
      %get3A_719 = arith.constant 6 : i32
      %get3A_720 = arith.index_cast %get3A_719 : i32 to index
      %get3A_721 = arith.constant 48 : index
      %get3A_722 = tpu.vector_load %arg6[%get3A_720, %get3A_721] {strides = array<i32>} : memref<8x128xf32, #tpu.memory_space<vmem>>, vector<1x16xf32>,
      %get3A_723 = vector.shape_cast %get3A_722 : vector<1x16xf32> to vector<16xf32>
      %add3A_724 = arith.constant 1.000000e+00 : f32
      %add3A_725 = vector.broadcast %add3A_724 : f32 to vector<16xf32>
      %add3A_726 = arith.addf %get3A_723, %add3A_725 : vector<16xf32>
      %swap3A_727 = arith.constant 6 : i32
      %swap3A_728 = arith.index_cast %swap3A_727 : i32 to index
      %swap3A_729 = arith.constant 48 : index
      %swap3A_730 = tpu.vector_load %arg6[%swap3A_728, %swap3A_729] {strides = array<i32>} : memref<8x128xf32, #tpu.memory_space<vmem>>, vector<1x16xf32>,
      %swap3A_731 = vector.shape_cast %swap3A_730 : vector<1x16xf32> to vector<16xf32>
      %swap3A_732 = vector.shape_cast %add3A_726 : vector<16xf32> to vector<1x16xf32>
      tpu.vector_store %arg6[%swap3A_728, %swap3A_729], %swap3A_732 {strides = array<i32>} : memref<8x128xf32, #tpu.memory_space<vmem>>, vector<1x16xf32>,
      %get3A_733 = arith.constant 6 : i32
      %get3A_734 = arith.index_cast %get3A_733 : i32 to index
      %get3A_735 = arith.constant 64 : index
      %get3A_736 = tpu.vector_load %arg6[%get3A_734, %get3A_735] {strides = array<i32>} : memref<8x128xf32, #tpu.memory_space<vmem>>, vector<1x16xf32>,
      %get3A_737 = vector.shape_cast %get3A_736 : vector<1x16xf32> to vector<16xf32>
      %add3A_738 = arith.constant 1.000000e+00 : f32
      %add3A_739 = vector.broadcast %add3A_738 : f32 to vector<16xf32>
      %add3A_740 = arith.addf %get3A_737, %add3A_739 : vector<16xf32>
      %swap3A_741 = arith.constant 6 : i32
      %swap3A_742 = arith.index_cast %swap3A_741 : i32 to index
      %swap3A_743 = arith.constant 64 : index
      %swap3A_744 = tpu.vector_load %arg6[%swap3A_742, %swap3A_743] {strides = array<i32>} : memref<8x128xf32, #tpu.memory_space<vmem>>, vector<1x16xf32>,
      %swap3A_745 = vector.shape_cast %swap3A_744 : vector<1x16xf32> to vector<16xf32>
      %swap3A_746 = vector.shape_cast %add3A_740 : vector<16xf32> to vector<1x16xf32>
      tpu.vector_store %arg6[%swap3A_742, %swap3A_743], %swap3A_746 {strides = array<i32>} : memref<8x128xf32, #tpu.memory_space<vmem>>, vector<1x16xf32>,
      %get3A_747 = arith.constant 6 : i32
      %get3A_748 = arith.index_cast %get3A_747 : i32 to index
      %get3A_749 = arith.constant 80 : index
      %get3A_750 = tpu.vector_load %arg6[%get3A_748, %get3A_749] {strides = array<i32>} : memref<8x128xf32, #tpu.memory_space<vmem>>, vector<1x16xf32>,
      %get3A_751 = vector.shape_cast %get3A_750 : vector<1x16xf32> to vector<16xf32>
      %add3A_752 = arith.constant 1.000000e+00 : f32
      %add3A_753 = vector.broadcast %add3A_752 : f32 to vector<16xf32>
      %add3A_754 = arith.addf %get3A_751, %add3A_753 : vector<16xf32>
      %swap3A_755 = arith.constant 6 : i32
      %swap3A_756 = arith.index_cast %swap3A_755 : i32 to index
      %swap3A_757 = arith.constant 80 : index
      %swap3A_758 = tpu.vector_load %arg6[%swap3A_756, %swap3A_757] {strides = array<i32>} : memref<8x128xf32, #tpu.memory_space<vmem>>, vector<1x16xf32>,
      %swap3A_759 = vector.shape_cast %swap3A_758 : vector<1x16xf32> to vector<16xf32>
      %swap3A_760 = vector.shape_cast %add3A_754 : vector<16xf32> to vector<1x16xf32>
      tpu.vector_store %arg6[%swap3A_756, %swap3A_757], %swap3A_760 {strides = array<i32>} : memref<8x128xf32, #tpu.memory_space<vmem>>, vector<1x16xf32>,
      %get3A_761 = arith.constant 6 : i32
      %get3A_762 = arith.index_cast %get3A_761 : i32 to index
      %get3A_763 = arith.constant 96 : index
      %get3A_764 = tpu.vector_load %arg6[%get3A_762, %get3A_763] {strides = array<i32>} : memref<8x128xf32, #tpu.memory_space<vmem>>, vector<1x16xf32>,
      %get3A_765 = vector.shape_cast %get3A_764 : vector<1x16xf32> to vector<16xf32>
      %add3A_766 = arith.constant 1.000000e+00 : f32
      %add3A_767 = vector.broadcast %add3A_766 : f32 to vector<16xf32>
      %add3A_768 = arith.addf %get3A_765, %add3A_767 : vector<16xf32>
      %swap3A_769 = arith.constant 6 : i32
      %swap3A_770 = arith.index_cast %swap3A_769 : i32 to index
      %swap3A_771 = arith.constant 96 : index
      %swap3A_772 = tpu.vector_load %arg6[%swap3A_770, %swap3A_771] {strides = array<i32>} : memref<8x128xf32, #tpu.memory_space<vmem>>, vector<1x16xf32>,
      %swap3A_773 = vector.shape_cast %swap3A_772 : vector<1x16xf32> to vector<16xf32>
      %swap3A_774 = vector.shape_cast %add3A_768 : vector<16xf32> to vector<1x16xf32>
      tpu.vector_store %arg6[%swap3A_770, %swap3A_771], %swap3A_774 {strides = array<i32>} : memref<8x128xf32, #tpu.memory_space<vmem>>, vector<1x16xf32>,
      %get3A_775 = arith.constant 6 : i32
      %get3A_776 = arith.index_cast %get3A_775 : i32 to index
      %get3A_777 = arith.constant 112 : index
      %get3A_778 = tpu.vector_load %arg6[%get3A_776, %get3A_777] {strides = array<i32>} : memref<8x128xf32, #tpu.memory_space<vmem>>, vector<1x16xf32>,
      %get3A_779 = vector.shape_cast %get3A_778 : vector<1x16xf32> to vector<16xf32>
      %add3A_780 = arith.constant 1.000000e+00 : f32
      %add3A_781 = vector.broadcast %add3A_780 : f32 to vector<16xf32>
      %add3A_782 = arith.addf %get3A_779, %add3A_781 : vector<16xf32>
      %swap3A_783 = arith.constant 6 : i32
      %swap3A_784 = arith.index_cast %swap3A_783 : i32 to index
      %swap3A_785 = arith.constant 112 : index
      %swap3A_786 = tpu.vector_load %arg6[%swap3A_784, %swap3A_785] {strides = array<i32>} : memref<8x128xf32, #tpu.memory_space<vmem>>, vector<1x16xf32>,
      %swap3A_787 = vector.shape_cast %swap3A_786 : vector<1x16xf32> to vector<16xf32>
      %swap3A_788 = vector.shape_cast %add3A_782 : vector<16xf32> to vector<1x16xf32>
      tpu.vector_store %arg6[%swap3A_784, %swap3A_785], %swap3A_788 {strides = array<i32>} : memref<8x128xf32, #tpu.memory_space<vmem>>, vector<1x16xf32>,
      %get3A_789 = arith.constant 7 : i32
      %get3A_790 = arith.index_cast %get3A_789 : i32 to index
      %get3A_791 = arith.constant 0 : index
      %get3A_792 = tpu.vector_load %arg6[%get3A_790, %get3A_791] {strides = array<i32>} : memref<8x128xf32, #tpu.memory_space<vmem>>, vector<1x16xf32>,
      %get3A_793 = vector.shape_cast %get3A_792 : vector<1x16xf32> to vector<16xf32>
      %add3A_794 = arith.constant 1.000000e+00 : f32
      %add3A_795 = vector.broadcast %add3A_794 : f32 to vector<16xf32>
      %add3A_796 = arith.addf %get3A_793, %add3A_795 : vector<16xf32>
      %swap3A_797 = arith.constant 7 : i32
      %swap3A_798 = arith.index_cast %swap3A_797 : i32 to index
      %swap3A_799 = arith.constant 0 : index
      %swap3A_800 = tpu.vector_load %arg6[%swap3A_798, %swap3A_799] {strides = array<i32>} : memref<8x128xf32, #tpu.memory_space<vmem>>, vector<1x16xf32>,
      %swap3A_801 = vector.shape_cast %swap3A_800 : vector<1x16xf32> to vector<16xf32>
      %swap3A_802 = vector.shape_cast %add3A_796 : vector<16xf32> to vector<1x16xf32>
      tpu.vector_store %arg6[%swap3A_798, %swap3A_799], %swap3A_802 {strides = array<i32>} : memref<8x128xf32, #tpu.memory_space<vmem>>, vector<1x16xf32>,
      %get3A_803 = arith.constant 7 : i32
      %get3A_804 = arith.index_cast %get3A_803 : i32 to index
      %get3A_805 = arith.constant 16 : index
      %get3A_806 = tpu.vector_load %arg6[%get3A_804, %get3A_805] {strides = array<i32>} : memref<8x128xf32, #tpu.memory_space<vmem>>, vector<1x16xf32>,
      %get3A_807 = vector.shape_cast %get3A_806 : vector<1x16xf32> to vector<16xf32>
      %add3A_808 = arith.constant 1.000000e+00 : f32
      %add3A_809 = vector.broadcast %add3A_808 : f32 to vector<16xf32>
      %add3A_810 = arith.addf %get3A_807, %add3A_809 : vector<16xf32>
      %swap3A_811 = arith.constant 7 : i32
      %swap3A_812 = arith.index_cast %swap3A_811 : i32 to index
      %swap3A_813 = arith.constant 16 : index
      %swap3A_814 = tpu.vector_load %arg6[%swap3A_812, %swap3A_813] {strides = array<i32>} : memref<8x128xf32, #tpu.memory_space<vmem>>, vector<1x16xf32>,
      %swap3A_815 = vector.shape_cast %swap3A_814 : vector<1x16xf32> to vector<16xf32>
      %swap3A_816 = vector.shape_cast %add3A_810 : vector<16xf32> to vector<1x16xf32>
      tpu.vector_store %arg6[%swap3A_812, %swap3A_813], %swap3A_816 {strides = array<i32>} : memref<8x128xf32, #tpu.memory_space<vmem>>, vector<1x16xf32>,
      %get3A_817 = arith.constant 7 : i32
      %get3A_818 = arith.index_cast %get3A_817 : i32 to index
      %get3A_819 = arith.constant 32 : index
      %get3A_820 = tpu.vector_load %arg6[%get3A_818, %get3A_819] {strides = array<i32>} : memref<8x128xf32, #tpu.memory_space<vmem>>, vector<1x16xf32>,
      %get3A_821 = vector.shape_cast %get3A_820 : vector<1x16xf32> to vector<16xf32>
      %add3A_822 = arith.constant 1.000000e+00 : f32
      %add3A_823 = vector.broadcast %add3A_822 : f32 to vector<16xf32>
      %add3A_824 = arith.addf %get3A_821, %add3A_823 : vector<16xf32>
      %swap3A_825 = arith.constant 7 : i32
      %swap3A_826 = arith.index_cast %swap3A_825 : i32 to index
      %swap3A_827 = arith.constant 32 : index
      %swap3A_828 = tpu.vector_load %arg6[%swap3A_826, %swap3A_827] {strides = array<i32>} : memref<8x128xf32, #tpu.memory_space<vmem>>, vector<1x16xf32>,
      %swap3A_829 = vector.shape_cast %swap3A_828 : vector<1x16xf32> to vector<16xf32>
      %swap3A_830 = vector.shape_cast %add3A_824 : vector<16xf32> to vector<1x16xf32>
      tpu.vector_store %arg6[%swap3A_826, %swap3A_827], %swap3A_830 {strides = array<i32>} : memref<8x128xf32, #tpu.memory_space<vmem>>, vector<1x16xf32>,
      %get3A_831 = arith.constant 7 : i32
      %get3A_832 = arith.index_cast %get3A_831 : i32 to index
      %get3A_833 = arith.constant 48 : index
      %get3A_834 = tpu.vector_load %arg6[%get3A_832, %get3A_833] {strides = array<i32>} : memref<8x128xf32, #tpu.memory_space<vmem>>, vector<1x16xf32>,
      %get3A_835 = vector.shape_cast %get3A_834 : vector<1x16xf32> to vector<16xf32>
      %add3A_836 = arith.constant 1.000000e+00 : f32
      %add3A_837 = vector.broadcast %add3A_836 : f32 to vector<16xf32>
      %add3A_838 = arith.addf %get3A_835, %add3A_837 : vector<16xf32>
      %swap3A_839 = arith.constant 7 : i32
      %swap3A_840 = arith.index_cast %swap3A_839 : i32 to index
      %swap3A_841 = arith.constant 48 : index
      %swap3A_842 = tpu.vector_load %arg6[%swap3A_840, %swap3A_841] {strides = array<i32>} : memref<8x128xf32, #tpu.memory_space<vmem>>, vector<1x16xf32>,
      %swap3A_843 = vector.shape_cast %swap3A_842 : vector<1x16xf32> to vector<16xf32>
      %swap3A_844 = vector.shape_cast %add3A_838 : vector<16xf32> to vector<1x16xf32>
      tpu.vector_store %arg6[%swap3A_840, %swap3A_841], %swap3A_844 {strides = array<i32>} : memref<8x128xf32, #tpu.memory_space<vmem>>, vector<1x16xf32>,
      %get3A_845 = arith.constant 7 : i32
      %get3A_846 = arith.index_cast %get3A_845 : i32 to index
      %get3A_847 = arith.constant 64 : index
      %get3A_848 = tpu.vector_load %arg6[%get3A_846, %get3A_847] {strides = array<i32>} : memref<8x128xf32, #tpu.memory_space<vmem>>, vector<1x16xf32>,
      %get3A_849 = vector.shape_cast %get3A_848 : vector<1x16xf32> to vector<16xf32>
      %add3A_850 = arith.constant 1.000000e+00 : f32
      %add3A_851 = vector.broadcast %add3A_850 : f32 to vector<16xf32>
      %add3A_852 = arith.addf %get3A_849, %add3A_851 : vector<16xf32>
      %swap3A_853 = arith.constant 7 : i32
      %swap3A_854 = arith.index_cast %swap3A_853 : i32 to index
      %swap3A_855 = arith.constant 64 : index
      %swap3A_856 = tpu.vector_load %arg6[%swap3A_854, %swap3A_855] {strides = array<i32>} : memref<8x128xf32, #tpu.memory_space<vmem>>, vector<1x16xf32>,
      %swap3A_857 = vector.shape_cast %swap3A_856 : vector<1x16xf32> to vector<16xf32>
      %swap3A_858 = vector.shape_cast %add3A_852 : vector<16xf32> to vector<1x16xf32>
      tpu.vector_store %arg6[%swap3A_854, %swap3A_855], %swap3A_858 {strides = array<i32>} : memref<8x128xf32, #tpu.memory_space<vmem>>, vector<1x16xf32>,
      %get3A_859 = arith.constant 7 : i32
      %get3A_860 = arith.index_cast %get3A_859 : i32 to index
      %get3A_861 = arith.constant 80 : index
      %get3A_862 = tpu.vector_load %arg6[%get3A_860, %get3A_861] {strides = array<i32>} : memref<8x128xf32, #tpu.memory_space<vmem>>, vector<1x16xf32>,
      %get3A_863 = vector.shape_cast %get3A_862 : vector<1x16xf32> to vector<16xf32>
      %add3A_864 = arith.constant 1.000000e+00 : f32
      %add3A_865 = vector.broadcast %add3A_864 : f32 to vector<16xf32>
      %add3A_866 = arith.addf %get3A_863, %add3A_865 : vector<16xf32>
      %swap3A_867 = arith.constant 7 : i32
      %swap3A_868 = arith.index_cast %swap3A_867 : i32 to index
      %swap3A_869 = arith.constant 80 : index
      %swap3A_870 = tpu.vector_load %arg6[%swap3A_868, %swap3A_869] {strides = array<i32>} : memref<8x128xf32, #tpu.memory_space<vmem>>, vector<1x16xf32>,
      %swap3A_871 = vector.shape_cast %swap3A_870 : vector<1x16xf32> to vector<16xf32>
      %swap3A_872 = vector.shape_cast %add3A_866 : vector<16xf32> to vector<1x16xf32>
      tpu.vector_store %arg6[%swap3A_868, %swap3A_869], %swap3A_872 {strides = array<i32>} : memref<8x128xf32, #tpu.memory_space<vmem>>, vector<1x16xf32>,
      %get3A_873 = arith.constant 7 : i32
      %get3A_874 = arith.index_cast %get3A_873 : i32 to index
      %get3A_875 = arith.constant 96 : index
      %get3A_876 = tpu.vector_load %arg6[%get3A_874, %get3A_875] {strides = array<i32>} : memref<8x128xf32, #tpu.memory_space<vmem>>, vector<1x16xf32>,
      %get3A_877 = vector.shape_cast %get3A_876 : vector<1x16xf32> to vector<16xf32>
      %add3A_878 = arith.constant 1.000000e+00 : f32
      %add3A_879 = vector.broadcast %add3A_878 : f32 to vector<16xf32>
      %add3A_880 = arith.addf %get3A_877, %add3A_879 : vector<16xf32>
      %swap3A_881 = arith.constant 7 : i32
      %swap3A_882 = arith.index_cast %swap3A_881 : i32 to index
      %swap3A_883 = arith.constant 96 : index
      %swap3A_884 = tpu.vector_load %arg6[%swap3A_882, %swap3A_883] {strides = array<i32>} : memref<8x128xf32, #tpu.memory_space<vmem>>, vector<1x16xf32>,
      %swap3A_885 = vector.shape_cast %swap3A_884 : vector<1x16xf32> to vector<16xf32>
      %swap3A_886 = vector.shape_cast %add3A_880 : vector<16xf32> to vector<1x16xf32>
      tpu.vector_store %arg6[%swap3A_882, %swap3A_883], %swap3A_886 {strides = array<i32>} : memref<8x128xf32, #tpu.memory_space<vmem>>, vector<1x16xf32>,
      %get3A_887 = arith.constant 7 : i32
      %get3A_888 = arith.index_cast %get3A_887 : i32 to index
      %get3A_889 = arith.constant 112 : index
      %get3A_890 = tpu.vector_load %arg6[%get3A_888, %get3A_889] {strides = array<i32>} : memref<8x128xf32, #tpu.memory_space<vmem>>, vector<1x16xf32>,
      %get3A_891 = vector.shape_cast %get3A_890 : vector<1x16xf32> to vector<16xf32>
      %add3A_892 = arith.constant 1.000000e+00 : f32
      %add3A_893 = vector.broadcast %add3A_892 : f32 to vector<16xf32>
      %add3A_894 = arith.addf %get3A_891, %add3A_893 : vector<16xf32>
      %swap3A_895 = arith.constant 7 : i32
      %swap3A_896 = arith.index_cast %swap3A_895 : i32 to index
      %swap3A_897 = arith.constant 112 : index
      %swap3A_898 = tpu.vector_load %arg6[%swap3A_896, %swap3A_897] {strides = array<i32>} : memref<8x128xf32, #tpu.memory_space<vmem>>, vector<1x16xf32>,
      %swap3A_899 = vector.shape_cast %swap3A_898 : vector<1x16xf32> to vector<16xf32>
      %swap3A_900 = vector.shape_cast %add3A_894 : vector<16xf32> to vector<1x16xf32>
      tpu.vector_store %arg6[%swap3A_896, %swap3A_897], %swap3A_900 {strides = array<i32>} : memref<8x128xf32, #tpu.memory_space<vmem>>, vector<1x16xf32>,
      "tpu.region"() ({
        %run_scoped3A = tpu.sem_alloc : memref<!tpu.dma_semaphore, #tpu.memory_space<semaphore_mem>>
        tpu.enqueue_dma source(%arg6 : memref<8x128xf32, #tpu.memory_space<vmem>>) target(%arg4 : memref<8x128xf32, #tpu.memory_space<hbm>>) target_semaphore(%run_scoped3A : memref<!tpu.dma_semaphore, #tpu.memory_space<semaphore_mem>>)
        tpu.wait_dma2 semaphore(%run_scoped3A : memref<!tpu.dma_semaphore, #tpu.memory_space<semaphore_mem>>) src(%arg6 : memref<8x128xf32, #tpu.memory_space<vmem>>) dst(%arg4 : memref<8x128xf32, #tpu.memory_space<hbm>>)
        tpu.yield
      }) : () -> ()
    } else {
    }
    return
  }
}

module attributes {stable_mosaic.version = 14 : i64} {
  func.func @_tc_body(%arg0: i32, %arg1: memref<1xi32, #tpu.memory_space<smem>>, %arg2: memref<131072x128xf32, #tpu.memory_space<any>>, %arg3: memref<8x128xf32, #tpu.memory_space<vmem>>, %arg4: memref<131072x128xf32, #tpu.memory_space<any>>, %arg5: memref<8192x128xf32, #tpu.memory_space<vmem>>, %arg6: memref<8192x128xf32, #tpu.memory_space<vmem>>, %arg7: memref<8192x128xf32, #tpu.memory_space<vmem>>, %arg8: memref<8192x128xf32, #tpu.memory_space<vmem>>, %arg9: memref<8192x128xf32, #tpu.memory_space<vmem>>, %arg10: memref<8192x128xf32, #tpu.memory_space<vmem>>, %arg11: memref<!tpu.dma_semaphore, #tpu.memory_space<semaphore_mem>>, %arg12: memref<!tpu.dma_semaphore, #tpu.memory_space<semaphore_mem>>, %arg13: memref<!tpu.dma_semaphore, #tpu.memory_space<semaphore_mem>>, %arg14: memref<!tpu.dma_semaphore, #tpu.memory_space<semaphore_mem>>, %arg15: memref<!tpu.dma_semaphore, #tpu.memory_space<semaphore_mem>>, %arg16: memref<!tpu.dma_semaphore, #tpu.memory_space<semaphore_mem>>, %arg17: memref<!tpu.dma_semaphore, #tpu.memory_space<semaphore_mem>>, %arg18: memref<!tpu.dma_semaphore, #tpu.memory_space<semaphore_mem>>, %arg19: memref<!tpu.dma_semaphore, #tpu.memory_space<semaphore_mem>>, %arg20: memref<!tpu.dma_semaphore, #tpu.memory_space<semaphore_mem>>, %arg21: memref<!tpu.dma_semaphore, #tpu.memory_space<semaphore_mem>>, %arg22: memref<!tpu.dma_semaphore, #tpu.memory_space<semaphore_mem>>) attributes {dimension_semantics = [#tpu.dimension_semantics<arbitrary>], iteration_bounds = array<i64: 1>, scalar_prefetch = 1 : i64, scratch_operands = 18 : i64, tpu.core_type = #tpu.core_type<tc>, window_params = [{}, {pipeline_mode = #tpu.pipeline_mode<synchronous>, transform_indices = @transform_1, window_bounds = array<i64: 8, 128>}, {}]} {
    %get3A = arith.constant 0 : index
    %get3A_0 = memref.load %arg1[%get3A] : memref<1xi32, #tpu.memory_space<smem>>
    %dma_start3A = arith.constant 0 : i32
    %dma_start3A_1 = arith.constant 0 : i32
    %dma_start3A_2 = tpu.memref_slice %arg2[%dma_start3A, %dma_start3A_1] : memref<131072x128xf32, #tpu.memory_space<any>> -> memref<8192x128xf32, #tpu.memory_space<any>>
    tpu.enqueue_dma source(%dma_start3A_2 : memref<8192x128xf32, #tpu.memory_space<any>>) target(%arg5 : memref<8192x128xf32, #tpu.memory_space<vmem>>) target_semaphore(%arg11 : memref<!tpu.dma_semaphore, #tpu.memory_space<semaphore_mem>>)
    %dma_start3A_3 = arith.constant 8192 : i32
    %dma_start3A_4 = arith.constant 0 : i32
    %dma_start3A_5 = tpu.memref_slice %arg2[%dma_start3A_3, %dma_start3A_4] : memref<131072x128xf32, #tpu.memory_space<any>> -> memref<8192x128xf32, #tpu.memory_space<any>>
    tpu.enqueue_dma source(%dma_start3A_5 : memref<8192x128xf32, #tpu.memory_space<any>>) target(%arg6 : memref<8192x128xf32, #tpu.memory_space<vmem>>) target_semaphore(%arg12 : memref<!tpu.dma_semaphore, #tpu.memory_space<semaphore_mem>>)
    %dma_start3A_6 = arith.constant 16384 : i32
    %dma_start3A_7 = arith.constant 0 : i32
    %dma_start3A_8 = tpu.memref_slice %arg2[%dma_start3A_6, %dma_start3A_7] : memref<131072x128xf32, #tpu.memory_space<any>> -> memref<8192x128xf32, #tpu.memory_space<any>>
    tpu.enqueue_dma source(%dma_start3A_8 : memref<8192x128xf32, #tpu.memory_space<any>>) target(%arg7 : memref<8192x128xf32, #tpu.memory_space<vmem>>) target_semaphore(%arg13 : memref<!tpu.dma_semaphore, #tpu.memory_space<semaphore_mem>>)
    %dma_start3A_9 = arith.constant 24576 : i32
    %dma_start3A_10 = arith.constant 0 : i32
    %dma_start3A_11 = tpu.memref_slice %arg2[%dma_start3A_9, %dma_start3A_10] : memref<131072x128xf32, #tpu.memory_space<any>> -> memref<8192x128xf32, #tpu.memory_space<any>>
    tpu.enqueue_dma source(%dma_start3A_11 : memref<8192x128xf32, #tpu.memory_space<any>>) target(%arg8 : memref<8192x128xf32, #tpu.memory_space<vmem>>) target_semaphore(%arg14 : memref<!tpu.dma_semaphore, #tpu.memory_space<semaphore_mem>>)
    %dma_start3A_12 = arith.constant 32768 : i32
    %dma_start3A_13 = arith.constant 0 : i32
    %dma_start3A_14 = tpu.memref_slice %arg2[%dma_start3A_12, %dma_start3A_13] : memref<131072x128xf32, #tpu.memory_space<any>> -> memref<8192x128xf32, #tpu.memory_space<any>>
    tpu.enqueue_dma source(%dma_start3A_14 : memref<8192x128xf32, #tpu.memory_space<any>>) target(%arg9 : memref<8192x128xf32, #tpu.memory_space<vmem>>) target_semaphore(%arg15 : memref<!tpu.dma_semaphore, #tpu.memory_space<semaphore_mem>>)
    %dma_start3A_15 = arith.constant 40960 : i32
    %dma_start3A_16 = arith.constant 0 : i32
    %dma_start3A_17 = tpu.memref_slice %arg2[%dma_start3A_15, %dma_start3A_16] : memref<131072x128xf32, #tpu.memory_space<any>> -> memref<8192x128xf32, #tpu.memory_space<any>>
    tpu.enqueue_dma source(%dma_start3A_17 : memref<8192x128xf32, #tpu.memory_space<any>>) target(%arg10 : memref<8192x128xf32, #tpu.memory_space<vmem>>) target_semaphore(%arg16 : memref<!tpu.dma_semaphore, #tpu.memory_space<semaphore_mem>>)
    %dma_wait3A = arith.constant 0 : i32
    %dma_wait3A_18 = arith.constant 0 : i32
    %dma_wait3A_19 = tpu.memref_slice %arg2[%dma_wait3A, %dma_wait3A_18] : memref<131072x128xf32, #tpu.memory_space<any>> -> memref<8192x128xf32, #tpu.memory_space<any>>
    tpu.wait_dma2 semaphore(%arg11 : memref<!tpu.dma_semaphore, #tpu.memory_space<semaphore_mem>>) src(%dma_wait3A_19 : memref<8192x128xf32, #tpu.memory_space<any>>) dst(%arg5 : memref<8192x128xf32, #tpu.memory_space<vmem>>)
    %ge3A = arith.constant 0 : i32
    %ge3A_20 = arith.cmpi sge, %get3A_0, %ge3A : i32
    %lt3A = arith.constant 8192 : i32
    %lt3A_21 = arith.cmpi slt, %get3A_0, %lt3A : i32
    %and3A = arith.andi %ge3A_20, %lt3A_21 : i1
    %convert_element_type3A = arith.extui %and3A : i1 to i32
    %cond3A = arith.constant 0 : i32
    %cond3A_22 = arith.cmpi ne, %convert_element_type3A, %cond3A : i32
    scf.if %cond3A_22 {
      %sub3A = arith.constant 0 : i32
      %sub3A_314 = arith.subi %get3A_0, %sub3A : i32
      %get3A_315 = arith.constant 0 : index
      %get3A_316 = arith.constant 0 : index
      %get3A_317 = vector.load %arg3[%get3A_315, %get3A_316] : memref<8x128xf32, #tpu.memory_space<vmem>>, vector<1x128xf32>
      %swap3A = arith.index_cast %sub3A_314 : i32 to index
      %swap3A_318 = arith.constant 0 : index
      %swap3A_319 = vector.load %arg5[%swap3A, %swap3A_318] : memref<8192x128xf32, #tpu.memory_space<vmem>>, vector<1x128xf32>
      tpu.vector_store %arg5[%swap3A, %swap3A_318], %get3A_317 {strides = array<i32>} : memref<8192x128xf32, #tpu.memory_space<vmem>>, vector<1x128xf32>,
    } else {
    }
    %dma_start3A_23 = arith.constant 0 : i32
    %dma_start3A_24 = arith.constant 0 : i32
    %dma_start3A_25 = tpu.memref_slice %arg4[%dma_start3A_23, %dma_start3A_24] : memref<131072x128xf32, #tpu.memory_space<any>> -> memref<8192x128xf32, #tpu.memory_space<any>>
    tpu.enqueue_dma source(%arg5 : memref<8192x128xf32, #tpu.memory_space<vmem>>) target(%dma_start3A_25 : memref<8192x128xf32, #tpu.memory_space<any>>) target_semaphore(%arg17 : memref<!tpu.dma_semaphore, #tpu.memory_space<semaphore_mem>>)
    %dma_wait3A_26 = arith.constant 0 : i32
    %dma_wait3A_27 = arith.constant 0 : i32
    %dma_wait3A_28 = tpu.memref_slice %arg4[%dma_wait3A_26, %dma_wait3A_27] : memref<131072x128xf32, #tpu.memory_space<any>> -> memref<8192x128xf32, #tpu.memory_space<any>>
    tpu.wait_dma2 semaphore(%arg17 : memref<!tpu.dma_semaphore, #tpu.memory_space<semaphore_mem>>) src(%arg5 : memref<8192x128xf32, #tpu.memory_space<vmem>>) dst(%dma_wait3A_28 : memref<8192x128xf32, #tpu.memory_space<any>>)
    %dma_start3A_29 = arith.constant 49152 : i32
    %dma_start3A_30 = arith.constant 0 : i32
    %dma_start3A_31 = tpu.memref_slice %arg2[%dma_start3A_29, %dma_start3A_30] : memref<131072x128xf32, #tpu.memory_space<any>> -> memref<8192x128xf32, #tpu.memory_space<any>>
    tpu.enqueue_dma source(%dma_start3A_31 : memref<8192x128xf32, #tpu.memory_space<any>>) target(%arg5 : memref<8192x128xf32, #tpu.memory_space<vmem>>) target_semaphore(%arg11 : memref<!tpu.dma_semaphore, #tpu.memory_space<semaphore_mem>>)
    %dma_wait3A_32 = arith.constant 8192 : i32
    %dma_wait3A_33 = arith.constant 0 : i32
    %dma_wait3A_34 = tpu.memref_slice %arg2[%dma_wait3A_32, %dma_wait3A_33] : memref<131072x128xf32, #tpu.memory_space<any>> -> memref<8192x128xf32, #tpu.memory_space<any>>
    tpu.wait_dma2 semaphore(%arg12 : memref<!tpu.dma_semaphore, #tpu.memory_space<semaphore_mem>>) src(%dma_wait3A_34 : memref<8192x128xf32, #tpu.memory_space<any>>) dst(%arg6 : memref<8192x128xf32, #tpu.memory_space<vmem>>)
    %ge3A_35 = arith.constant 8192 : i32
    %ge3A_36 = arith.cmpi sge, %get3A_0, %ge3A_35 : i32
    %lt3A_37 = arith.constant 16384 : i32
    %lt3A_38 = arith.cmpi slt, %get3A_0, %lt3A_37 : i32
    %and3A_39 = arith.andi %ge3A_36, %lt3A_38 : i1
    %convert_element_type3A_40 = arith.extui %and3A_39 : i1 to i32
    %cond3A_41 = arith.constant 0 : i32
    %cond3A_42 = arith.cmpi ne, %convert_element_type3A_40, %cond3A_41 : i32
    scf.if %cond3A_42 {
      %sub3A = arith.constant 8192 : i32
      %sub3A_314 = arith.subi %get3A_0, %sub3A : i32
      %get3A_315 = arith.constant 0 : index
      %get3A_316 = arith.constant 0 : index
      %get3A_317 = vector.load %arg3[%get3A_315, %get3A_316] : memref<8x128xf32, #tpu.memory_space<vmem>>, vector<1x128xf32>
      %swap3A = arith.index_cast %sub3A_314 : i32 to index
      %swap3A_318 = arith.constant 0 : index
      %swap3A_319 = vector.load %arg6[%swap3A, %swap3A_318] : memref<8192x128xf32, #tpu.memory_space<vmem>>, vector<1x128xf32>
      tpu.vector_store %arg6[%swap3A, %swap3A_318], %get3A_317 {strides = array<i32>} : memref<8192x128xf32, #tpu.memory_space<vmem>>, vector<1x128xf32>,
    } else {
    }
    %dma_start3A_43 = arith.constant 8192 : i32
    %dma_start3A_44 = arith.constant 0 : i32
    %dma_start3A_45 = tpu.memref_slice %arg4[%dma_start3A_43, %dma_start3A_44] : memref<131072x128xf32, #tpu.memory_space<any>> -> memref<8192x128xf32, #tpu.memory_space<any>>
    tpu.enqueue_dma source(%arg6 : memref<8192x128xf32, #tpu.memory_space<vmem>>) target(%dma_start3A_45 : memref<8192x128xf32, #tpu.memory_space<any>>) target_semaphore(%arg18 : memref<!tpu.dma_semaphore, #tpu.memory_space<semaphore_mem>>)
    %dma_wait3A_46 = arith.constant 8192 : i32
    %dma_wait3A_47 = arith.constant 0 : i32
    %dma_wait3A_48 = tpu.memref_slice %arg4[%dma_wait3A_46, %dma_wait3A_47] : memref<131072x128xf32, #tpu.memory_space<any>> -> memref<8192x128xf32, #tpu.memory_space<any>>
    tpu.wait_dma2 semaphore(%arg18 : memref<!tpu.dma_semaphore, #tpu.memory_space<semaphore_mem>>) src(%arg6 : memref<8192x128xf32, #tpu.memory_space<vmem>>) dst(%dma_wait3A_48 : memref<8192x128xf32, #tpu.memory_space<any>>)
    %dma_start3A_49 = arith.constant 57344 : i32
    %dma_start3A_50 = arith.constant 0 : i32
    %dma_start3A_51 = tpu.memref_slice %arg2[%dma_start3A_49, %dma_start3A_50] : memref<131072x128xf32, #tpu.memory_space<any>> -> memref<8192x128xf32, #tpu.memory_space<any>>
    tpu.enqueue_dma source(%dma_start3A_51 : memref<8192x128xf32, #tpu.memory_space<any>>) target(%arg6 : memref<8192x128xf32, #tpu.memory_space<vmem>>) target_semaphore(%arg12 : memref<!tpu.dma_semaphore, #tpu.memory_space<semaphore_mem>>)
    %dma_wait3A_52 = arith.constant 16384 : i32
    %dma_wait3A_53 = arith.constant 0 : i32
    %dma_wait3A_54 = tpu.memref_slice %arg2[%dma_wait3A_52, %dma_wait3A_53] : memref<131072x128xf32, #tpu.memory_space<any>> -> memref<8192x128xf32, #tpu.memory_space<any>>
    tpu.wait_dma2 semaphore(%arg13 : memref<!tpu.dma_semaphore, #tpu.memory_space<semaphore_mem>>) src(%dma_wait3A_54 : memref<8192x128xf32, #tpu.memory_space<any>>) dst(%arg7 : memref<8192x128xf32, #tpu.memory_space<vmem>>)
    %ge3A_55 = arith.constant 16384 : i32
    %ge3A_56 = arith.cmpi sge, %get3A_0, %ge3A_55 : i32
    %lt3A_57 = arith.constant 24576 : i32
    %lt3A_58 = arith.cmpi slt, %get3A_0, %lt3A_57 : i32
    %and3A_59 = arith.andi %ge3A_56, %lt3A_58 : i1
    %convert_element_type3A_60 = arith.extui %and3A_59 : i1 to i32
    %cond3A_61 = arith.constant 0 : i32
    %cond3A_62 = arith.cmpi ne, %convert_element_type3A_60, %cond3A_61 : i32
    scf.if %cond3A_62 {
      %sub3A = arith.constant 16384 : i32
      %sub3A_314 = arith.subi %get3A_0, %sub3A : i32
      %get3A_315 = arith.constant 0 : index
      %get3A_316 = arith.constant 0 : index
      %get3A_317 = vector.load %arg3[%get3A_315, %get3A_316] : memref<8x128xf32, #tpu.memory_space<vmem>>, vector<1x128xf32>
      %swap3A = arith.index_cast %sub3A_314 : i32 to index
      %swap3A_318 = arith.constant 0 : index
      %swap3A_319 = vector.load %arg7[%swap3A, %swap3A_318] : memref<8192x128xf32, #tpu.memory_space<vmem>>, vector<1x128xf32>
      tpu.vector_store %arg7[%swap3A, %swap3A_318], %get3A_317 {strides = array<i32>} : memref<8192x128xf32, #tpu.memory_space<vmem>>, vector<1x128xf32>,
    } else {
    }
    %dma_start3A_63 = arith.constant 16384 : i32
    %dma_start3A_64 = arith.constant 0 : i32
    %dma_start3A_65 = tpu.memref_slice %arg4[%dma_start3A_63, %dma_start3A_64] : memref<131072x128xf32, #tpu.memory_space<any>> -> memref<8192x128xf32, #tpu.memory_space<any>>
    tpu.enqueue_dma source(%arg7 : memref<8192x128xf32, #tpu.memory_space<vmem>>) target(%dma_start3A_65 : memref<8192x128xf32, #tpu.memory_space<any>>) target_semaphore(%arg19 : memref<!tpu.dma_semaphore, #tpu.memory_space<semaphore_mem>>)
    %dma_wait3A_66 = arith.constant 16384 : i32
    %dma_wait3A_67 = arith.constant 0 : i32
    %dma_wait3A_68 = tpu.memref_slice %arg4[%dma_wait3A_66, %dma_wait3A_67] : memref<131072x128xf32, #tpu.memory_space<any>> -> memref<8192x128xf32, #tpu.memory_space<any>>
    tpu.wait_dma2 semaphore(%arg19 : memref<!tpu.dma_semaphore, #tpu.memory_space<semaphore_mem>>) src(%arg7 : memref<8192x128xf32, #tpu.memory_space<vmem>>) dst(%dma_wait3A_68 : memref<8192x128xf32, #tpu.memory_space<any>>)
    %dma_start3A_69 = arith.constant 65536 : i32
    %dma_start3A_70 = arith.constant 0 : i32
    %dma_start3A_71 = tpu.memref_slice %arg2[%dma_start3A_69, %dma_start3A_70] : memref<131072x128xf32, #tpu.memory_space<any>> -> memref<8192x128xf32, #tpu.memory_space<any>>
    tpu.enqueue_dma source(%dma_start3A_71 : memref<8192x128xf32, #tpu.memory_space<any>>) target(%arg7 : memref<8192x128xf32, #tpu.memory_space<vmem>>) target_semaphore(%arg13 : memref<!tpu.dma_semaphore, #tpu.memory_space<semaphore_mem>>)
    %dma_wait3A_72 = arith.constant 24576 : i32
    %dma_wait3A_73 = arith.constant 0 : i32
    %dma_wait3A_74 = tpu.memref_slice %arg2[%dma_wait3A_72, %dma_wait3A_73] : memref<131072x128xf32, #tpu.memory_space<any>> -> memref<8192x128xf32, #tpu.memory_space<any>>
    tpu.wait_dma2 semaphore(%arg14 : memref<!tpu.dma_semaphore, #tpu.memory_space<semaphore_mem>>) src(%dma_wait3A_74 : memref<8192x128xf32, #tpu.memory_space<any>>) dst(%arg8 : memref<8192x128xf32, #tpu.memory_space<vmem>>)
    %ge3A_75 = arith.constant 24576 : i32
    %ge3A_76 = arith.cmpi sge, %get3A_0, %ge3A_75 : i32
    %lt3A_77 = arith.constant 32768 : i32
    %lt3A_78 = arith.cmpi slt, %get3A_0, %lt3A_77 : i32
    %and3A_79 = arith.andi %ge3A_76, %lt3A_78 : i1
    %convert_element_type3A_80 = arith.extui %and3A_79 : i1 to i32
    %cond3A_81 = arith.constant 0 : i32
    %cond3A_82 = arith.cmpi ne, %convert_element_type3A_80, %cond3A_81 : i32
    scf.if %cond3A_82 {
      %sub3A = arith.constant 24576 : i32
      %sub3A_314 = arith.subi %get3A_0, %sub3A : i32
      %get3A_315 = arith.constant 0 : index
      %get3A_316 = arith.constant 0 : index
      %get3A_317 = vector.load %arg3[%get3A_315, %get3A_316] : memref<8x128xf32, #tpu.memory_space<vmem>>, vector<1x128xf32>
      %swap3A = arith.index_cast %sub3A_314 : i32 to index
      %swap3A_318 = arith.constant 0 : index
      %swap3A_319 = vector.load %arg8[%swap3A, %swap3A_318] : memref<8192x128xf32, #tpu.memory_space<vmem>>, vector<1x128xf32>
      tpu.vector_store %arg8[%swap3A, %swap3A_318], %get3A_317 {strides = array<i32>} : memref<8192x128xf32, #tpu.memory_space<vmem>>, vector<1x128xf32>,
    } else {
    }
    %dma_start3A_83 = arith.constant 24576 : i32
    %dma_start3A_84 = arith.constant 0 : i32
    %dma_start3A_85 = tpu.memref_slice %arg4[%dma_start3A_83, %dma_start3A_84] : memref<131072x128xf32, #tpu.memory_space<any>> -> memref<8192x128xf32, #tpu.memory_space<any>>
    tpu.enqueue_dma source(%arg8 : memref<8192x128xf32, #tpu.memory_space<vmem>>) target(%dma_start3A_85 : memref<8192x128xf32, #tpu.memory_space<any>>) target_semaphore(%arg20 : memref<!tpu.dma_semaphore, #tpu.memory_space<semaphore_mem>>)
    %dma_wait3A_86 = arith.constant 24576 : i32
    %dma_wait3A_87 = arith.constant 0 : i32
    %dma_wait3A_88 = tpu.memref_slice %arg4[%dma_wait3A_86, %dma_wait3A_87] : memref<131072x128xf32, #tpu.memory_space<any>> -> memref<8192x128xf32, #tpu.memory_space<any>>
    tpu.wait_dma2 semaphore(%arg20 : memref<!tpu.dma_semaphore, #tpu.memory_space<semaphore_mem>>) src(%arg8 : memref<8192x128xf32, #tpu.memory_space<vmem>>) dst(%dma_wait3A_88 : memref<8192x128xf32, #tpu.memory_space<any>>)
    %dma_start3A_89 = arith.constant 73728 : i32
    %dma_start3A_90 = arith.constant 0 : i32
    %dma_start3A_91 = tpu.memref_slice %arg2[%dma_start3A_89, %dma_start3A_90] : memref<131072x128xf32, #tpu.memory_space<any>> -> memref<8192x128xf32, #tpu.memory_space<any>>
    tpu.enqueue_dma source(%dma_start3A_91 : memref<8192x128xf32, #tpu.memory_space<any>>) target(%arg8 : memref<8192x128xf32, #tpu.memory_space<vmem>>) target_semaphore(%arg14 : memref<!tpu.dma_semaphore, #tpu.memory_space<semaphore_mem>>)
    %dma_wait3A_92 = arith.constant 32768 : i32
    %dma_wait3A_93 = arith.constant 0 : i32
    %dma_wait3A_94 = tpu.memref_slice %arg2[%dma_wait3A_92, %dma_wait3A_93] : memref<131072x128xf32, #tpu.memory_space<any>> -> memref<8192x128xf32, #tpu.memory_space<any>>
    tpu.wait_dma2 semaphore(%arg15 : memref<!tpu.dma_semaphore, #tpu.memory_space<semaphore_mem>>) src(%dma_wait3A_94 : memref<8192x128xf32, #tpu.memory_space<any>>) dst(%arg9 : memref<8192x128xf32, #tpu.memory_space<vmem>>)
    %ge3A_95 = arith.constant 32768 : i32
    %ge3A_96 = arith.cmpi sge, %get3A_0, %ge3A_95 : i32
    %lt3A_97 = arith.constant 40960 : i32
    %lt3A_98 = arith.cmpi slt, %get3A_0, %lt3A_97 : i32
    %and3A_99 = arith.andi %ge3A_96, %lt3A_98 : i1
    %convert_element_type3A_100 = arith.extui %and3A_99 : i1 to i32
    %cond3A_101 = arith.constant 0 : i32
    %cond3A_102 = arith.cmpi ne, %convert_element_type3A_100, %cond3A_101 : i32
    scf.if %cond3A_102 {
      %sub3A = arith.constant 32768 : i32
      %sub3A_314 = arith.subi %get3A_0, %sub3A : i32
      %get3A_315 = arith.constant 0 : index
      %get3A_316 = arith.constant 0 : index
      %get3A_317 = vector.load %arg3[%get3A_315, %get3A_316] : memref<8x128xf32, #tpu.memory_space<vmem>>, vector<1x128xf32>
      %swap3A = arith.index_cast %sub3A_314 : i32 to index
      %swap3A_318 = arith.constant 0 : index
      %swap3A_319 = vector.load %arg9[%swap3A, %swap3A_318] : memref<8192x128xf32, #tpu.memory_space<vmem>>, vector<1x128xf32>
      tpu.vector_store %arg9[%swap3A, %swap3A_318], %get3A_317 {strides = array<i32>} : memref<8192x128xf32, #tpu.memory_space<vmem>>, vector<1x128xf32>,
    } else {
    }
    %dma_start3A_103 = arith.constant 32768 : i32
    %dma_start3A_104 = arith.constant 0 : i32
    %dma_start3A_105 = tpu.memref_slice %arg4[%dma_start3A_103, %dma_start3A_104] : memref<131072x128xf32, #tpu.memory_space<any>> -> memref<8192x128xf32, #tpu.memory_space<any>>
    tpu.enqueue_dma source(%arg9 : memref<8192x128xf32, #tpu.memory_space<vmem>>) target(%dma_start3A_105 : memref<8192x128xf32, #tpu.memory_space<any>>) target_semaphore(%arg21 : memref<!tpu.dma_semaphore, #tpu.memory_space<semaphore_mem>>)
    %dma_wait3A_106 = arith.constant 32768 : i32
    %dma_wait3A_107 = arith.constant 0 : i32
    %dma_wait3A_108 = tpu.memref_slice %arg4[%dma_wait3A_106, %dma_wait3A_107] : memref<131072x128xf32, #tpu.memory_space<any>> -> memref<8192x128xf32, #tpu.memory_space<any>>
    tpu.wait_dma2 semaphore(%arg21 : memref<!tpu.dma_semaphore, #tpu.memory_space<semaphore_mem>>) src(%arg9 : memref<8192x128xf32, #tpu.memory_space<vmem>>) dst(%dma_wait3A_108 : memref<8192x128xf32, #tpu.memory_space<any>>)
    %dma_start3A_109 = arith.constant 81920 : i32
    %dma_start3A_110 = arith.constant 0 : i32
    %dma_start3A_111 = tpu.memref_slice %arg2[%dma_start3A_109, %dma_start3A_110] : memref<131072x128xf32, #tpu.memory_space<any>> -> memref<8192x128xf32, #tpu.memory_space<any>>
    tpu.enqueue_dma source(%dma_start3A_111 : memref<8192x128xf32, #tpu.memory_space<any>>) target(%arg9 : memref<8192x128xf32, #tpu.memory_space<vmem>>) target_semaphore(%arg15 : memref<!tpu.dma_semaphore, #tpu.memory_space<semaphore_mem>>)
    %dma_wait3A_112 = arith.constant 40960 : i32
    %dma_wait3A_113 = arith.constant 0 : i32
    %dma_wait3A_114 = tpu.memref_slice %arg2[%dma_wait3A_112, %dma_wait3A_113] : memref<131072x128xf32, #tpu.memory_space<any>> -> memref<8192x128xf32, #tpu.memory_space<any>>
    tpu.wait_dma2 semaphore(%arg16 : memref<!tpu.dma_semaphore, #tpu.memory_space<semaphore_mem>>) src(%dma_wait3A_114 : memref<8192x128xf32, #tpu.memory_space<any>>) dst(%arg10 : memref<8192x128xf32, #tpu.memory_space<vmem>>)
    %ge3A_115 = arith.constant 40960 : i32
    %ge3A_116 = arith.cmpi sge, %get3A_0, %ge3A_115 : i32
    %lt3A_117 = arith.constant 49152 : i32
    %lt3A_118 = arith.cmpi slt, %get3A_0, %lt3A_117 : i32
    %and3A_119 = arith.andi %ge3A_116, %lt3A_118 : i1
    %convert_element_type3A_120 = arith.extui %and3A_119 : i1 to i32
    %cond3A_121 = arith.constant 0 : i32
    %cond3A_122 = arith.cmpi ne, %convert_element_type3A_120, %cond3A_121 : i32
    scf.if %cond3A_122 {
      %sub3A = arith.constant 40960 : i32
      %sub3A_314 = arith.subi %get3A_0, %sub3A : i32
      %get3A_315 = arith.constant 0 : index
      %get3A_316 = arith.constant 0 : index
      %get3A_317 = vector.load %arg3[%get3A_315, %get3A_316] : memref<8x128xf32, #tpu.memory_space<vmem>>, vector<1x128xf32>
      %swap3A = arith.index_cast %sub3A_314 : i32 to index
      %swap3A_318 = arith.constant 0 : index
      %swap3A_319 = vector.load %arg10[%swap3A, %swap3A_318] : memref<8192x128xf32, #tpu.memory_space<vmem>>, vector<1x128xf32>
      tpu.vector_store %arg10[%swap3A, %swap3A_318], %get3A_317 {strides = array<i32>} : memref<8192x128xf32, #tpu.memory_space<vmem>>, vector<1x128xf32>,
    } else {
    }
    %dma_start3A_123 = arith.constant 40960 : i32
    %dma_start3A_124 = arith.constant 0 : i32
    %dma_start3A_125 = tpu.memref_slice %arg4[%dma_start3A_123, %dma_start3A_124] : memref<131072x128xf32, #tpu.memory_space<any>> -> memref<8192x128xf32, #tpu.memory_space<any>>
    tpu.enqueue_dma source(%arg10 : memref<8192x128xf32, #tpu.memory_space<vmem>>) target(%dma_start3A_125 : memref<8192x128xf32, #tpu.memory_space<any>>) target_semaphore(%arg22 : memref<!tpu.dma_semaphore, #tpu.memory_space<semaphore_mem>>)
    %dma_wait3A_126 = arith.constant 40960 : i32
    %dma_wait3A_127 = arith.constant 0 : i32
    %dma_wait3A_128 = tpu.memref_slice %arg4[%dma_wait3A_126, %dma_wait3A_127] : memref<131072x128xf32, #tpu.memory_space<any>> -> memref<8192x128xf32, #tpu.memory_space<any>>
    tpu.wait_dma2 semaphore(%arg22 : memref<!tpu.dma_semaphore, #tpu.memory_space<semaphore_mem>>) src(%arg10 : memref<8192x128xf32, #tpu.memory_space<vmem>>) dst(%dma_wait3A_128 : memref<8192x128xf32, #tpu.memory_space<any>>)
    %dma_start3A_129 = arith.constant 90112 : i32
    %dma_start3A_130 = arith.constant 0 : i32
    %dma_start3A_131 = tpu.memref_slice %arg2[%dma_start3A_129, %dma_start3A_130] : memref<131072x128xf32, #tpu.memory_space<any>> -> memref<8192x128xf32, #tpu.memory_space<any>>
    tpu.enqueue_dma source(%dma_start3A_131 : memref<8192x128xf32, #tpu.memory_space<any>>) target(%arg10 : memref<8192x128xf32, #tpu.memory_space<vmem>>) target_semaphore(%arg16 : memref<!tpu.dma_semaphore, #tpu.memory_space<semaphore_mem>>)
    %dma_wait3A_132 = arith.constant 49152 : i32
    %dma_wait3A_133 = arith.constant 0 : i32
    %dma_wait3A_134 = tpu.memref_slice %arg2[%dma_wait3A_132, %dma_wait3A_133] : memref<131072x128xf32, #tpu.memory_space<any>> -> memref<8192x128xf32, #tpu.memory_space<any>>
    tpu.wait_dma2 semaphore(%arg11 : memref<!tpu.dma_semaphore, #tpu.memory_space<semaphore_mem>>) src(%dma_wait3A_134 : memref<8192x128xf32, #tpu.memory_space<any>>) dst(%arg5 : memref<8192x128xf32, #tpu.memory_space<vmem>>)
    %ge3A_135 = arith.constant 49152 : i32
    %ge3A_136 = arith.cmpi sge, %get3A_0, %ge3A_135 : i32
    %lt3A_137 = arith.constant 57344 : i32
    %lt3A_138 = arith.cmpi slt, %get3A_0, %lt3A_137 : i32
    %and3A_139 = arith.andi %ge3A_136, %lt3A_138 : i1
    %convert_element_type3A_140 = arith.extui %and3A_139 : i1 to i32
    %cond3A_141 = arith.constant 0 : i32
    %cond3A_142 = arith.cmpi ne, %convert_element_type3A_140, %cond3A_141 : i32
    scf.if %cond3A_142 {
      %sub3A = arith.constant 49152 : i32
      %sub3A_314 = arith.subi %get3A_0, %sub3A : i32
      %get3A_315 = arith.constant 0 : index
      %get3A_316 = arith.constant 0 : index
      %get3A_317 = vector.load %arg3[%get3A_315, %get3A_316] : memref<8x128xf32, #tpu.memory_space<vmem>>, vector<1x128xf32>
      %swap3A = arith.index_cast %sub3A_314 : i32 to index
      %swap3A_318 = arith.constant 0 : index
      %swap3A_319 = vector.load %arg5[%swap3A, %swap3A_318] : memref<8192x128xf32, #tpu.memory_space<vmem>>, vector<1x128xf32>
      tpu.vector_store %arg5[%swap3A, %swap3A_318], %get3A_317 {strides = array<i32>} : memref<8192x128xf32, #tpu.memory_space<vmem>>, vector<1x128xf32>,
    } else {
    }
    %dma_start3A_143 = arith.constant 49152 : i32
    %dma_start3A_144 = arith.constant 0 : i32
    %dma_start3A_145 = tpu.memref_slice %arg4[%dma_start3A_143, %dma_start3A_144] : memref<131072x128xf32, #tpu.memory_space<any>> -> memref<8192x128xf32, #tpu.memory_space<any>>
    tpu.enqueue_dma source(%arg5 : memref<8192x128xf32, #tpu.memory_space<vmem>>) target(%dma_start3A_145 : memref<8192x128xf32, #tpu.memory_space<any>>) target_semaphore(%arg17 : memref<!tpu.dma_semaphore, #tpu.memory_space<semaphore_mem>>)
    %dma_wait3A_146 = arith.constant 49152 : i32
    %dma_wait3A_147 = arith.constant 0 : i32
    %dma_wait3A_148 = tpu.memref_slice %arg4[%dma_wait3A_146, %dma_wait3A_147] : memref<131072x128xf32, #tpu.memory_space<any>> -> memref<8192x128xf32, #tpu.memory_space<any>>
    tpu.wait_dma2 semaphore(%arg17 : memref<!tpu.dma_semaphore, #tpu.memory_space<semaphore_mem>>) src(%arg5 : memref<8192x128xf32, #tpu.memory_space<vmem>>) dst(%dma_wait3A_148 : memref<8192x128xf32, #tpu.memory_space<any>>)
    %dma_start3A_149 = arith.constant 98304 : i32
    %dma_start3A_150 = arith.constant 0 : i32
    %dma_start3A_151 = tpu.memref_slice %arg2[%dma_start3A_149, %dma_start3A_150] : memref<131072x128xf32, #tpu.memory_space<any>> -> memref<8192x128xf32, #tpu.memory_space<any>>
    tpu.enqueue_dma source(%dma_start3A_151 : memref<8192x128xf32, #tpu.memory_space<any>>) target(%arg5 : memref<8192x128xf32, #tpu.memory_space<vmem>>) target_semaphore(%arg11 : memref<!tpu.dma_semaphore, #tpu.memory_space<semaphore_mem>>)
    %dma_wait3A_152 = arith.constant 57344 : i32
    %dma_wait3A_153 = arith.constant 0 : i32
    %dma_wait3A_154 = tpu.memref_slice %arg2[%dma_wait3A_152, %dma_wait3A_153] : memref<131072x128xf32, #tpu.memory_space<any>> -> memref<8192x128xf32, #tpu.memory_space<any>>
    tpu.wait_dma2 semaphore(%arg12 : memref<!tpu.dma_semaphore, #tpu.memory_space<semaphore_mem>>) src(%dma_wait3A_154 : memref<8192x128xf32, #tpu.memory_space<any>>) dst(%arg6 : memref<8192x128xf32, #tpu.memory_space<vmem>>)
    %ge3A_155 = arith.constant 57344 : i32
    %ge3A_156 = arith.cmpi sge, %get3A_0, %ge3A_155 : i32
    %lt3A_157 = arith.constant 65536 : i32
    %lt3A_158 = arith.cmpi slt, %get3A_0, %lt3A_157 : i32
    %and3A_159 = arith.andi %ge3A_156, %lt3A_158 : i1
    %convert_element_type3A_160 = arith.extui %and3A_159 : i1 to i32
    %cond3A_161 = arith.constant 0 : i32
    %cond3A_162 = arith.cmpi ne, %convert_element_type3A_160, %cond3A_161 : i32
    scf.if %cond3A_162 {
      %sub3A = arith.constant 57344 : i32
      %sub3A_314 = arith.subi %get3A_0, %sub3A : i32
      %get3A_315 = arith.constant 0 : index
      %get3A_316 = arith.constant 0 : index
      %get3A_317 = vector.load %arg3[%get3A_315, %get3A_316] : memref<8x128xf32, #tpu.memory_space<vmem>>, vector<1x128xf32>
      %swap3A = arith.index_cast %sub3A_314 : i32 to index
      %swap3A_318 = arith.constant 0 : index
      %swap3A_319 = vector.load %arg6[%swap3A, %swap3A_318] : memref<8192x128xf32, #tpu.memory_space<vmem>>, vector<1x128xf32>
      tpu.vector_store %arg6[%swap3A, %swap3A_318], %get3A_317 {strides = array<i32>} : memref<8192x128xf32, #tpu.memory_space<vmem>>, vector<1x128xf32>,
    } else {
    }
    %dma_start3A_163 = arith.constant 57344 : i32
    %dma_start3A_164 = arith.constant 0 : i32
    %dma_start3A_165 = tpu.memref_slice %arg4[%dma_start3A_163, %dma_start3A_164] : memref<131072x128xf32, #tpu.memory_space<any>> -> memref<8192x128xf32, #tpu.memory_space<any>>
    tpu.enqueue_dma source(%arg6 : memref<8192x128xf32, #tpu.memory_space<vmem>>) target(%dma_start3A_165 : memref<8192x128xf32, #tpu.memory_space<any>>) target_semaphore(%arg18 : memref<!tpu.dma_semaphore, #tpu.memory_space<semaphore_mem>>)
    %dma_wait3A_166 = arith.constant 57344 : i32
    %dma_wait3A_167 = arith.constant 0 : i32
    %dma_wait3A_168 = tpu.memref_slice %arg4[%dma_wait3A_166, %dma_wait3A_167] : memref<131072x128xf32, #tpu.memory_space<any>> -> memref<8192x128xf32, #tpu.memory_space<any>>
    tpu.wait_dma2 semaphore(%arg18 : memref<!tpu.dma_semaphore, #tpu.memory_space<semaphore_mem>>) src(%arg6 : memref<8192x128xf32, #tpu.memory_space<vmem>>) dst(%dma_wait3A_168 : memref<8192x128xf32, #tpu.memory_space<any>>)
    %dma_start3A_169 = arith.constant 106496 : i32
    %dma_start3A_170 = arith.constant 0 : i32
    %dma_start3A_171 = tpu.memref_slice %arg2[%dma_start3A_169, %dma_start3A_170] : memref<131072x128xf32, #tpu.memory_space<any>> -> memref<8192x128xf32, #tpu.memory_space<any>>
    tpu.enqueue_dma source(%dma_start3A_171 : memref<8192x128xf32, #tpu.memory_space<any>>) target(%arg6 : memref<8192x128xf32, #tpu.memory_space<vmem>>) target_semaphore(%arg12 : memref<!tpu.dma_semaphore, #tpu.memory_space<semaphore_mem>>)
    %dma_wait3A_172 = arith.constant 65536 : i32
    %dma_wait3A_173 = arith.constant 0 : i32
    %dma_wait3A_174 = tpu.memref_slice %arg2[%dma_wait3A_172, %dma_wait3A_173] : memref<131072x128xf32, #tpu.memory_space<any>> -> memref<8192x128xf32, #tpu.memory_space<any>>
    tpu.wait_dma2 semaphore(%arg13 : memref<!tpu.dma_semaphore, #tpu.memory_space<semaphore_mem>>) src(%dma_wait3A_174 : memref<8192x128xf32, #tpu.memory_space<any>>) dst(%arg7 : memref<8192x128xf32, #tpu.memory_space<vmem>>)
    %ge3A_175 = arith.constant 65536 : i32
    %ge3A_176 = arith.cmpi sge, %get3A_0, %ge3A_175 : i32
    %lt3A_177 = arith.constant 73728 : i32
    %lt3A_178 = arith.cmpi slt, %get3A_0, %lt3A_177 : i32
    %and3A_179 = arith.andi %ge3A_176, %lt3A_178 : i1
    %convert_element_type3A_180 = arith.extui %and3A_179 : i1 to i32
    %cond3A_181 = arith.constant 0 : i32
    %cond3A_182 = arith.cmpi ne, %convert_element_type3A_180, %cond3A_181 : i32
    scf.if %cond3A_182 {
      %sub3A = arith.constant 65536 : i32
      %sub3A_314 = arith.subi %get3A_0, %sub3A : i32
      %get3A_315 = arith.constant 0 : index
      %get3A_316 = arith.constant 0 : index
      %get3A_317 = vector.load %arg3[%get3A_315, %get3A_316] : memref<8x128xf32, #tpu.memory_space<vmem>>, vector<1x128xf32>
      %swap3A = arith.index_cast %sub3A_314 : i32 to index
      %swap3A_318 = arith.constant 0 : index
      %swap3A_319 = vector.load %arg7[%swap3A, %swap3A_318] : memref<8192x128xf32, #tpu.memory_space<vmem>>, vector<1x128xf32>
      tpu.vector_store %arg7[%swap3A, %swap3A_318], %get3A_317 {strides = array<i32>} : memref<8192x128xf32, #tpu.memory_space<vmem>>, vector<1x128xf32>,
    } else {
    }
    %dma_start3A_183 = arith.constant 65536 : i32
    %dma_start3A_184 = arith.constant 0 : i32
    %dma_start3A_185 = tpu.memref_slice %arg4[%dma_start3A_183, %dma_start3A_184] : memref<131072x128xf32, #tpu.memory_space<any>> -> memref<8192x128xf32, #tpu.memory_space<any>>
    tpu.enqueue_dma source(%arg7 : memref<8192x128xf32, #tpu.memory_space<vmem>>) target(%dma_start3A_185 : memref<8192x128xf32, #tpu.memory_space<any>>) target_semaphore(%arg19 : memref<!tpu.dma_semaphore, #tpu.memory_space<semaphore_mem>>)
    %dma_wait3A_186 = arith.constant 65536 : i32
    %dma_wait3A_187 = arith.constant 0 : i32
    %dma_wait3A_188 = tpu.memref_slice %arg4[%dma_wait3A_186, %dma_wait3A_187] : memref<131072x128xf32, #tpu.memory_space<any>> -> memref<8192x128xf32, #tpu.memory_space<any>>
    tpu.wait_dma2 semaphore(%arg19 : memref<!tpu.dma_semaphore, #tpu.memory_space<semaphore_mem>>) src(%arg7 : memref<8192x128xf32, #tpu.memory_space<vmem>>) dst(%dma_wait3A_188 : memref<8192x128xf32, #tpu.memory_space<any>>)
    %dma_start3A_189 = arith.constant 114688 : i32
    %dma_start3A_190 = arith.constant 0 : i32
    %dma_start3A_191 = tpu.memref_slice %arg2[%dma_start3A_189, %dma_start3A_190] : memref<131072x128xf32, #tpu.memory_space<any>> -> memref<8192x128xf32, #tpu.memory_space<any>>
    tpu.enqueue_dma source(%dma_start3A_191 : memref<8192x128xf32, #tpu.memory_space<any>>) target(%arg7 : memref<8192x128xf32, #tpu.memory_space<vmem>>) target_semaphore(%arg13 : memref<!tpu.dma_semaphore, #tpu.memory_space<semaphore_mem>>)
    %dma_wait3A_192 = arith.constant 73728 : i32
    %dma_wait3A_193 = arith.constant 0 : i32
    %dma_wait3A_194 = tpu.memref_slice %arg2[%dma_wait3A_192, %dma_wait3A_193] : memref<131072x128xf32, #tpu.memory_space<any>> -> memref<8192x128xf32, #tpu.memory_space<any>>
    tpu.wait_dma2 semaphore(%arg14 : memref<!tpu.dma_semaphore, #tpu.memory_space<semaphore_mem>>) src(%dma_wait3A_194 : memref<8192x128xf32, #tpu.memory_space<any>>) dst(%arg8 : memref<8192x128xf32, #tpu.memory_space<vmem>>)
    %ge3A_195 = arith.constant 73728 : i32
    %ge3A_196 = arith.cmpi sge, %get3A_0, %ge3A_195 : i32
    %lt3A_197 = arith.constant 81920 : i32
    %lt3A_198 = arith.cmpi slt, %get3A_0, %lt3A_197 : i32
    %and3A_199 = arith.andi %ge3A_196, %lt3A_198 : i1
    %convert_element_type3A_200 = arith.extui %and3A_199 : i1 to i32
    %cond3A_201 = arith.constant 0 : i32
    %cond3A_202 = arith.cmpi ne, %convert_element_type3A_200, %cond3A_201 : i32
    scf.if %cond3A_202 {
      %sub3A = arith.constant 73728 : i32
      %sub3A_314 = arith.subi %get3A_0, %sub3A : i32
      %get3A_315 = arith.constant 0 : index
      %get3A_316 = arith.constant 0 : index
      %get3A_317 = vector.load %arg3[%get3A_315, %get3A_316] : memref<8x128xf32, #tpu.memory_space<vmem>>, vector<1x128xf32>
      %swap3A = arith.index_cast %sub3A_314 : i32 to index
      %swap3A_318 = arith.constant 0 : index
      %swap3A_319 = vector.load %arg8[%swap3A, %swap3A_318] : memref<8192x128xf32, #tpu.memory_space<vmem>>, vector<1x128xf32>
      tpu.vector_store %arg8[%swap3A, %swap3A_318], %get3A_317 {strides = array<i32>} : memref<8192x128xf32, #tpu.memory_space<vmem>>, vector<1x128xf32>,
    } else {
    }
    %dma_start3A_203 = arith.constant 73728 : i32
    %dma_start3A_204 = arith.constant 0 : i32
    %dma_start3A_205 = tpu.memref_slice %arg4[%dma_start3A_203, %dma_start3A_204] : memref<131072x128xf32, #tpu.memory_space<any>> -> memref<8192x128xf32, #tpu.memory_space<any>>
    tpu.enqueue_dma source(%arg8 : memref<8192x128xf32, #tpu.memory_space<vmem>>) target(%dma_start3A_205 : memref<8192x128xf32, #tpu.memory_space<any>>) target_semaphore(%arg20 : memref<!tpu.dma_semaphore, #tpu.memory_space<semaphore_mem>>)
    %dma_wait3A_206 = arith.constant 73728 : i32
    %dma_wait3A_207 = arith.constant 0 : i32
    %dma_wait3A_208 = tpu.memref_slice %arg4[%dma_wait3A_206, %dma_wait3A_207] : memref<131072x128xf32, #tpu.memory_space<any>> -> memref<8192x128xf32, #tpu.memory_space<any>>
    tpu.wait_dma2 semaphore(%arg20 : memref<!tpu.dma_semaphore, #tpu.memory_space<semaphore_mem>>) src(%arg8 : memref<8192x128xf32, #tpu.memory_space<vmem>>) dst(%dma_wait3A_208 : memref<8192x128xf32, #tpu.memory_space<any>>)
    %dma_start3A_209 = arith.constant 122880 : i32
    %dma_start3A_210 = arith.constant 0 : i32
    %dma_start3A_211 = tpu.memref_slice %arg2[%dma_start3A_209, %dma_start3A_210] : memref<131072x128xf32, #tpu.memory_space<any>> -> memref<8192x128xf32, #tpu.memory_space<any>>
    tpu.enqueue_dma source(%dma_start3A_211 : memref<8192x128xf32, #tpu.memory_space<any>>) target(%arg8 : memref<8192x128xf32, #tpu.memory_space<vmem>>) target_semaphore(%arg14 : memref<!tpu.dma_semaphore, #tpu.memory_space<semaphore_mem>>)
    %dma_wait3A_212 = arith.constant 81920 : i32
    %dma_wait3A_213 = arith.constant 0 : i32
    %dma_wait3A_214 = tpu.memref_slice %arg2[%dma_wait3A_212, %dma_wait3A_213] : memref<131072x128xf32, #tpu.memory_space<any>> -> memref<8192x128xf32, #tpu.memory_space<any>>
    tpu.wait_dma2 semaphore(%arg15 : memref<!tpu.dma_semaphore, #tpu.memory_space<semaphore_mem>>) src(%dma_wait3A_214 : memref<8192x128xf32, #tpu.memory_space<any>>) dst(%arg9 : memref<8192x128xf32, #tpu.memory_space<vmem>>)
    %ge3A_215 = arith.constant 81920 : i32
    %ge3A_216 = arith.cmpi sge, %get3A_0, %ge3A_215 : i32
    %lt3A_217 = arith.constant 90112 : i32
    %lt3A_218 = arith.cmpi slt, %get3A_0, %lt3A_217 : i32
    %and3A_219 = arith.andi %ge3A_216, %lt3A_218 : i1
    %convert_element_type3A_220 = arith.extui %and3A_219 : i1 to i32
    %cond3A_221 = arith.constant 0 : i32
    %cond3A_222 = arith.cmpi ne, %convert_element_type3A_220, %cond3A_221 : i32
    scf.if %cond3A_222 {
      %sub3A = arith.constant 81920 : i32
      %sub3A_314 = arith.subi %get3A_0, %sub3A : i32
      %get3A_315 = arith.constant 0 : index
      %get3A_316 = arith.constant 0 : index
      %get3A_317 = vector.load %arg3[%get3A_315, %get3A_316] : memref<8x128xf32, #tpu.memory_space<vmem>>, vector<1x128xf32>
      %swap3A = arith.index_cast %sub3A_314 : i32 to index
      %swap3A_318 = arith.constant 0 : index
      %swap3A_319 = vector.load %arg9[%swap3A, %swap3A_318] : memref<8192x128xf32, #tpu.memory_space<vmem>>, vector<1x128xf32>
      tpu.vector_store %arg9[%swap3A, %swap3A_318], %get3A_317 {strides = array<i32>} : memref<8192x128xf32, #tpu.memory_space<vmem>>, vector<1x128xf32>,
    } else {
    }
    %dma_start3A_223 = arith.constant 81920 : i32
    %dma_start3A_224 = arith.constant 0 : i32
    %dma_start3A_225 = tpu.memref_slice %arg4[%dma_start3A_223, %dma_start3A_224] : memref<131072x128xf32, #tpu.memory_space<any>> -> memref<8192x128xf32, #tpu.memory_space<any>>
    tpu.enqueue_dma source(%arg9 : memref<8192x128xf32, #tpu.memory_space<vmem>>) target(%dma_start3A_225 : memref<8192x128xf32, #tpu.memory_space<any>>) target_semaphore(%arg21 : memref<!tpu.dma_semaphore, #tpu.memory_space<semaphore_mem>>)
    %dma_wait3A_226 = arith.constant 90112 : i32
    %dma_wait3A_227 = arith.constant 0 : i32
    %dma_wait3A_228 = tpu.memref_slice %arg2[%dma_wait3A_226, %dma_wait3A_227] : memref<131072x128xf32, #tpu.memory_space<any>> -> memref<8192x128xf32, #tpu.memory_space<any>>
    tpu.wait_dma2 semaphore(%arg16 : memref<!tpu.dma_semaphore, #tpu.memory_space<semaphore_mem>>) src(%dma_wait3A_228 : memref<8192x128xf32, #tpu.memory_space<any>>) dst(%arg10 : memref<8192x128xf32, #tpu.memory_space<vmem>>)
    %ge3A_229 = arith.constant 90112 : i32
    %ge3A_230 = arith.cmpi sge, %get3A_0, %ge3A_229 : i32
    %lt3A_231 = arith.constant 98304 : i32
    %lt3A_232 = arith.cmpi slt, %get3A_0, %lt3A_231 : i32
    %and3A_233 = arith.andi %ge3A_230, %lt3A_232 : i1
    %convert_element_type3A_234 = arith.extui %and3A_233 : i1 to i32
    %cond3A_235 = arith.constant 0 : i32
    %cond3A_236 = arith.cmpi ne, %convert_element_type3A_234, %cond3A_235 : i32
    scf.if %cond3A_236 {
      %sub3A = arith.constant 90112 : i32
      %sub3A_314 = arith.subi %get3A_0, %sub3A : i32
      %get3A_315 = arith.constant 0 : index
      %get3A_316 = arith.constant 0 : index
      %get3A_317 = vector.load %arg3[%get3A_315, %get3A_316] : memref<8x128xf32, #tpu.memory_space<vmem>>, vector<1x128xf32>
      %swap3A = arith.index_cast %sub3A_314 : i32 to index
      %swap3A_318 = arith.constant 0 : index
      %swap3A_319 = vector.load %arg10[%swap3A, %swap3A_318] : memref<8192x128xf32, #tpu.memory_space<vmem>>, vector<1x128xf32>
      tpu.vector_store %arg10[%swap3A, %swap3A_318], %get3A_317 {strides = array<i32>} : memref<8192x128xf32, #tpu.memory_space<vmem>>, vector<1x128xf32>,
    } else {
    }
    %dma_start3A_237 = arith.constant 90112 : i32
    %dma_start3A_238 = arith.constant 0 : i32
    %dma_start3A_239 = tpu.memref_slice %arg4[%dma_start3A_237, %dma_start3A_238] : memref<131072x128xf32, #tpu.memory_space<any>> -> memref<8192x128xf32, #tpu.memory_space<any>>
    tpu.enqueue_dma source(%arg10 : memref<8192x128xf32, #tpu.memory_space<vmem>>) target(%dma_start3A_239 : memref<8192x128xf32, #tpu.memory_space<any>>) target_semaphore(%arg22 : memref<!tpu.dma_semaphore, #tpu.memory_space<semaphore_mem>>)
    %dma_wait3A_240 = arith.constant 98304 : i32
    %dma_wait3A_241 = arith.constant 0 : i32
    %dma_wait3A_242 = tpu.memref_slice %arg2[%dma_wait3A_240, %dma_wait3A_241] : memref<131072x128xf32, #tpu.memory_space<any>> -> memref<8192x128xf32, #tpu.memory_space<any>>
    tpu.wait_dma2 semaphore(%arg11 : memref<!tpu.dma_semaphore, #tpu.memory_space<semaphore_mem>>) src(%dma_wait3A_242 : memref<8192x128xf32, #tpu.memory_space<any>>) dst(%arg5 : memref<8192x128xf32, #tpu.memory_space<vmem>>)
    %ge3A_243 = arith.constant 98304 : i32
    %ge3A_244 = arith.cmpi sge, %get3A_0, %ge3A_243 : i32
    %lt3A_245 = arith.constant 106496 : i32
    %lt3A_246 = arith.cmpi slt, %get3A_0, %lt3A_245 : i32
    %and3A_247 = arith.andi %ge3A_244, %lt3A_246 : i1
    %convert_element_type3A_248 = arith.extui %and3A_247 : i1 to i32
    %cond3A_249 = arith.constant 0 : i32
    %cond3A_250 = arith.cmpi ne, %convert_element_type3A_248, %cond3A_249 : i32
    scf.if %cond3A_250 {
      %sub3A = arith.constant 98304 : i32
      %sub3A_314 = arith.subi %get3A_0, %sub3A : i32
      %get3A_315 = arith.constant 0 : index
      %get3A_316 = arith.constant 0 : index
      %get3A_317 = vector.load %arg3[%get3A_315, %get3A_316] : memref<8x128xf32, #tpu.memory_space<vmem>>, vector<1x128xf32>
      %swap3A = arith.index_cast %sub3A_314 : i32 to index
      %swap3A_318 = arith.constant 0 : index
      %swap3A_319 = vector.load %arg5[%swap3A, %swap3A_318] : memref<8192x128xf32, #tpu.memory_space<vmem>>, vector<1x128xf32>
      tpu.vector_store %arg5[%swap3A, %swap3A_318], %get3A_317 {strides = array<i32>} : memref<8192x128xf32, #tpu.memory_space<vmem>>, vector<1x128xf32>,
    } else {
    }
    %dma_start3A_251 = arith.constant 98304 : i32
    %dma_start3A_252 = arith.constant 0 : i32
    %dma_start3A_253 = tpu.memref_slice %arg4[%dma_start3A_251, %dma_start3A_252] : memref<131072x128xf32, #tpu.memory_space<any>> -> memref<8192x128xf32, #tpu.memory_space<any>>
    tpu.enqueue_dma source(%arg5 : memref<8192x128xf32, #tpu.memory_space<vmem>>) target(%dma_start3A_253 : memref<8192x128xf32, #tpu.memory_space<any>>) target_semaphore(%arg17 : memref<!tpu.dma_semaphore, #tpu.memory_space<semaphore_mem>>)
    %dma_wait3A_254 = arith.constant 106496 : i32
    %dma_wait3A_255 = arith.constant 0 : i32
    %dma_wait3A_256 = tpu.memref_slice %arg2[%dma_wait3A_254, %dma_wait3A_255] : memref<131072x128xf32, #tpu.memory_space<any>> -> memref<8192x128xf32, #tpu.memory_space<any>>
    tpu.wait_dma2 semaphore(%arg12 : memref<!tpu.dma_semaphore, #tpu.memory_space<semaphore_mem>>) src(%dma_wait3A_256 : memref<8192x128xf32, #tpu.memory_space<any>>) dst(%arg6 : memref<8192x128xf32, #tpu.memory_space<vmem>>)
    %ge3A_257 = arith.constant 106496 : i32
    %ge3A_258 = arith.cmpi sge, %get3A_0, %ge3A_257 : i32
    %lt3A_259 = arith.constant 114688 : i32
    %lt3A_260 = arith.cmpi slt, %get3A_0, %lt3A_259 : i32
    %and3A_261 = arith.andi %ge3A_258, %lt3A_260 : i1
    %convert_element_type3A_262 = arith.extui %and3A_261 : i1 to i32
    %cond3A_263 = arith.constant 0 : i32
    %cond3A_264 = arith.cmpi ne, %convert_element_type3A_262, %cond3A_263 : i32
    scf.if %cond3A_264 {
      %sub3A = arith.constant 106496 : i32
      %sub3A_314 = arith.subi %get3A_0, %sub3A : i32
      %get3A_315 = arith.constant 0 : index
      %get3A_316 = arith.constant 0 : index
      %get3A_317 = vector.load %arg3[%get3A_315, %get3A_316] : memref<8x128xf32, #tpu.memory_space<vmem>>, vector<1x128xf32>
      %swap3A = arith.index_cast %sub3A_314 : i32 to index
      %swap3A_318 = arith.constant 0 : index
      %swap3A_319 = vector.load %arg6[%swap3A, %swap3A_318] : memref<8192x128xf32, #tpu.memory_space<vmem>>, vector<1x128xf32>
      tpu.vector_store %arg6[%swap3A, %swap3A_318], %get3A_317 {strides = array<i32>} : memref<8192x128xf32, #tpu.memory_space<vmem>>, vector<1x128xf32>,
    } else {
    }
    %dma_start3A_265 = arith.constant 106496 : i32
    %dma_start3A_266 = arith.constant 0 : i32
    %dma_start3A_267 = tpu.memref_slice %arg4[%dma_start3A_265, %dma_start3A_266] : memref<131072x128xf32, #tpu.memory_space<any>> -> memref<8192x128xf32, #tpu.memory_space<any>>
    tpu.enqueue_dma source(%arg6 : memref<8192x128xf32, #tpu.memory_space<vmem>>) target(%dma_start3A_267 : memref<8192x128xf32, #tpu.memory_space<any>>) target_semaphore(%arg18 : memref<!tpu.dma_semaphore, #tpu.memory_space<semaphore_mem>>)
    %dma_wait3A_268 = arith.constant 114688 : i32
    %dma_wait3A_269 = arith.constant 0 : i32
    %dma_wait3A_270 = tpu.memref_slice %arg2[%dma_wait3A_268, %dma_wait3A_269] : memref<131072x128xf32, #tpu.memory_space<any>> -> memref<8192x128xf32, #tpu.memory_space<any>>
    tpu.wait_dma2 semaphore(%arg13 : memref<!tpu.dma_semaphore, #tpu.memory_space<semaphore_mem>>) src(%dma_wait3A_270 : memref<8192x128xf32, #tpu.memory_space<any>>) dst(%arg7 : memref<8192x128xf32, #tpu.memory_space<vmem>>)
    %ge3A_271 = arith.constant 114688 : i32
    %ge3A_272 = arith.cmpi sge, %get3A_0, %ge3A_271 : i32
    %lt3A_273 = arith.constant 122880 : i32
    %lt3A_274 = arith.cmpi slt, %get3A_0, %lt3A_273 : i32
    %and3A_275 = arith.andi %ge3A_272, %lt3A_274 : i1
    %convert_element_type3A_276 = arith.extui %and3A_275 : i1 to i32
    %cond3A_277 = arith.constant 0 : i32
    %cond3A_278 = arith.cmpi ne, %convert_element_type3A_276, %cond3A_277 : i32
    scf.if %cond3A_278 {
      %sub3A = arith.constant 114688 : i32
      %sub3A_314 = arith.subi %get3A_0, %sub3A : i32
      %get3A_315 = arith.constant 0 : index
      %get3A_316 = arith.constant 0 : index
      %get3A_317 = vector.load %arg3[%get3A_315, %get3A_316] : memref<8x128xf32, #tpu.memory_space<vmem>>, vector<1x128xf32>
      %swap3A = arith.index_cast %sub3A_314 : i32 to index
      %swap3A_318 = arith.constant 0 : index
      %swap3A_319 = vector.load %arg7[%swap3A, %swap3A_318] : memref<8192x128xf32, #tpu.memory_space<vmem>>, vector<1x128xf32>
      tpu.vector_store %arg7[%swap3A, %swap3A_318], %get3A_317 {strides = array<i32>} : memref<8192x128xf32, #tpu.memory_space<vmem>>, vector<1x128xf32>,
    } else {
    }
    %dma_start3A_279 = arith.constant 114688 : i32
    %dma_start3A_280 = arith.constant 0 : i32
    %dma_start3A_281 = tpu.memref_slice %arg4[%dma_start3A_279, %dma_start3A_280] : memref<131072x128xf32, #tpu.memory_space<any>> -> memref<8192x128xf32, #tpu.memory_space<any>>
    tpu.enqueue_dma source(%arg7 : memref<8192x128xf32, #tpu.memory_space<vmem>>) target(%dma_start3A_281 : memref<8192x128xf32, #tpu.memory_space<any>>) target_semaphore(%arg19 : memref<!tpu.dma_semaphore, #tpu.memory_space<semaphore_mem>>)
    %dma_wait3A_282 = arith.constant 122880 : i32
    %dma_wait3A_283 = arith.constant 0 : i32
    %dma_wait3A_284 = tpu.memref_slice %arg2[%dma_wait3A_282, %dma_wait3A_283] : memref<131072x128xf32, #tpu.memory_space<any>> -> memref<8192x128xf32, #tpu.memory_space<any>>
    tpu.wait_dma2 semaphore(%arg14 : memref<!tpu.dma_semaphore, #tpu.memory_space<semaphore_mem>>) src(%dma_wait3A_284 : memref<8192x128xf32, #tpu.memory_space<any>>) dst(%arg8 : memref<8192x128xf32, #tpu.memory_space<vmem>>)
    %ge3A_285 = arith.constant 122880 : i32
    %ge3A_286 = arith.cmpi sge, %get3A_0, %ge3A_285 : i32
    %lt3A_287 = arith.constant 131072 : i32
    %lt3A_288 = arith.cmpi slt, %get3A_0, %lt3A_287 : i32
    %and3A_289 = arith.andi %ge3A_286, %lt3A_288 : i1
    %convert_element_type3A_290 = arith.extui %and3A_289 : i1 to i32
    %cond3A_291 = arith.constant 0 : i32
    %cond3A_292 = arith.cmpi ne, %convert_element_type3A_290, %cond3A_291 : i32
    scf.if %cond3A_292 {
      %sub3A = arith.constant 122880 : i32
      %sub3A_314 = arith.subi %get3A_0, %sub3A : i32
      %get3A_315 = arith.constant 0 : index
      %get3A_316 = arith.constant 0 : index
      %get3A_317 = vector.load %arg3[%get3A_315, %get3A_316] : memref<8x128xf32, #tpu.memory_space<vmem>>, vector<1x128xf32>
      %swap3A = arith.index_cast %sub3A_314 : i32 to index
      %swap3A_318 = arith.constant 0 : index
      %swap3A_319 = vector.load %arg8[%swap3A, %swap3A_318] : memref<8192x128xf32, #tpu.memory_space<vmem>>, vector<1x128xf32>
      tpu.vector_store %arg8[%swap3A, %swap3A_318], %get3A_317 {strides = array<i32>} : memref<8192x128xf32, #tpu.memory_space<vmem>>, vector<1x128xf32>,
    } else {
    }
    %dma_start3A_293 = arith.constant 122880 : i32
    %dma_start3A_294 = arith.constant 0 : i32
    %dma_start3A_295 = tpu.memref_slice %arg4[%dma_start3A_293, %dma_start3A_294] : memref<131072x128xf32, #tpu.memory_space<any>> -> memref<8192x128xf32, #tpu.memory_space<any>>
    tpu.enqueue_dma source(%arg8 : memref<8192x128xf32, #tpu.memory_space<vmem>>) target(%dma_start3A_295 : memref<8192x128xf32, #tpu.memory_space<any>>) target_semaphore(%arg20 : memref<!tpu.dma_semaphore, #tpu.memory_space<semaphore_mem>>)
    %dma_wait3A_296 = arith.constant 81920 : i32
    %dma_wait3A_297 = arith.constant 0 : i32
    %dma_wait3A_298 = tpu.memref_slice %arg4[%dma_wait3A_296, %dma_wait3A_297] : memref<131072x128xf32, #tpu.memory_space<any>> -> memref<8192x128xf32, #tpu.memory_space<any>>
    tpu.wait_dma2 semaphore(%arg21 : memref<!tpu.dma_semaphore, #tpu.memory_space<semaphore_mem>>) src(%arg9 : memref<8192x128xf32, #tpu.memory_space<vmem>>) dst(%dma_wait3A_298 : memref<8192x128xf32, #tpu.memory_space<any>>)
    %dma_wait3A_299 = arith.constant 90112 : i32
    %dma_wait3A_300 = arith.constant 0 : i32
    %dma_wait3A_301 = tpu.memref_slice %arg4[%dma_wait3A_299, %dma_wait3A_300] : memref<131072x128xf32, #tpu.memory_space<any>> -> memref<8192x128xf32, #tpu.memory_space<any>>
    tpu.wait_dma2 semaphore(%arg22 : memref<!tpu.dma_semaphore, #tpu.memory_space<semaphore_mem>>) src(%arg10 : memref<8192x128xf32, #tpu.memory_space<vmem>>) dst(%dma_wait3A_301 : memref<8192x128xf32, #tpu.memory_space<any>>)
    %dma_wait3A_302 = arith.constant 98304 : i32
    %dma_wait3A_303 = arith.constant 0 : i32
    %dma_wait3A_304 = tpu.memref_slice %arg4[%dma_wait3A_302, %dma_wait3A_303] : memref<131072x128xf32, #tpu.memory_space<any>> -> memref<8192x128xf32, #tpu.memory_space<any>>
    tpu.wait_dma2 semaphore(%arg17 : memref<!tpu.dma_semaphore, #tpu.memory_space<semaphore_mem>>) src(%arg5 : memref<8192x128xf32, #tpu.memory_space<vmem>>) dst(%dma_wait3A_304 : memref<8192x128xf32, #tpu.memory_space<any>>)
    %dma_wait3A_305 = arith.constant 106496 : i32
    %dma_wait3A_306 = arith.constant 0 : i32
    %dma_wait3A_307 = tpu.memref_slice %arg4[%dma_wait3A_305, %dma_wait3A_306] : memref<131072x128xf32, #tpu.memory_space<any>> -> memref<8192x128xf32, #tpu.memory_space<any>>
    tpu.wait_dma2 semaphore(%arg18 : memref<!tpu.dma_semaphore, #tpu.memory_space<semaphore_mem>>) src(%arg6 : memref<8192x128xf32, #tpu.memory_space<vmem>>) dst(%dma_wait3A_307 : memref<8192x128xf32, #tpu.memory_space<any>>)
    %dma_wait3A_308 = arith.constant 114688 : i32
    %dma_wait3A_309 = arith.constant 0 : i32
    %dma_wait3A_310 = tpu.memref_slice %arg4[%dma_wait3A_308, %dma_wait3A_309] : memref<131072x128xf32, #tpu.memory_space<any>> -> memref<8192x128xf32, #tpu.memory_space<any>>
    tpu.wait_dma2 semaphore(%arg19 : memref<!tpu.dma_semaphore, #tpu.memory_space<semaphore_mem>>) src(%arg7 : memref<8192x128xf32, #tpu.memory_space<vmem>>) dst(%dma_wait3A_310 : memref<8192x128xf32, #tpu.memory_space<any>>)
    %dma_wait3A_311 = arith.constant 122880 : i32
    %dma_wait3A_312 = arith.constant 0 : i32
    %dma_wait3A_313 = tpu.memref_slice %arg4[%dma_wait3A_311, %dma_wait3A_312] : memref<131072x128xf32, #tpu.memory_space<any>> -> memref<8192x128xf32, #tpu.memory_space<any>>
    tpu.wait_dma2 semaphore(%arg20 : memref<!tpu.dma_semaphore, #tpu.memory_space<semaphore_mem>>) src(%arg8 : memref<8192x128xf32, #tpu.memory_space<vmem>>) dst(%dma_wait3A_313 : memref<8192x128xf32, #tpu.memory_space<any>>)
    return
  }
  func.func @transform_1(%arg0: i32, %arg1: memref<1xi32, #tpu.memory_space<smem>>) -> (i32, i32) {
    %c0_i32 = arith.constant 0 : i32
    %c0_i32_0 = arith.constant 0 : i32
    %c0_i32_1 = arith.constant 0 : i32
    return %c0_i32, %c0_i32_0 : i32, i32
  }
}

</mosaic_0001>

<sc_bundles>
// kernel: kernel.4.cloned.1.call-start
scs
__scs_entry_jumppad:
0x0: {  	(pc) =	sbr.rel $0x88, $3  }
0x1: {  	(tag) =	ssettag $0x0;
	lr =	simm.s32 $0x1  }
0x2: {  	[smem:$0x3F9E] =	sst lr;
	_ =	strace $0xD0000000  }
0x3: {  	_ = 	snop  }
0x4: {  	_ = 	snop  }
0x5: {  	_ = 	snop  }
0x6: {  	_ = 	snop  }
0x7: {  	_ = 	snop  }
__scs_overlays_trampoline_lowered:
0x8: {  	[smem:$0x3FAD] =	sst s0  }
0x9: {  	[smem:$0x3FAE] =	sst s1  }
0xa: {  	[smem:$0x3FAF] =	sst s2  }
0xb: {  	[smem:$0x3FB0] =	sst s3  }
0xc: {  	[smem:$0x3FB1] =	sst s4  }
0xd: {  	[smem:$0x3FB2] =	sst s5  }
0xe: {  	[smem:$0x3FB3] =	sst s6  }
0xf: {  	[smem:$0x3FB4] =	sst s7  }
0x10: {  	[smem:$0x3FB5] =	sst s8  }
0x11: {  	[smem:$0x3FB6] =	sst s9;
	s0 =	simm.s32 @!p0 $0x0  }
0x12: {  	s1 =	sld [smem:$0x3F9C];
	s0 =	simm.s32 @p0 $0x1  }
0x13: {  	[smem:$0x3FB7] =	sst s0;
	s0 =	simm.s32 @!p1 $0x0  }
0x14: {  	s2 =	sld [smem:$0x3F9B];
	s0 =	simm.s32 @p1 $0x1  }
0x15: {  	[smem:$0x3FB8] =	sst s0;
	s0 =	simm.s32 @!p2 $0x0  }
0x16: {  	s3 =	sld [smem:$0x3FDB];
	s0 =	simm.s32 @p2 $0x1  }
0x17: {  	s4 =	simm.s32 $0x1BF5;
	[smem:$0x3FBA] =	sst s0  }
0x18: {  	s0 =	sld [smem:$0x3F9D];
	_ =	swait.ge [sflag:s4], $0x0  }
0x19: {  	s7 =	sld [smem:$0x3F9E]  }
0x1a: {  	s8 =	sadd.s32 $0xFFFFE003, lr  }
0x1b: {  	s9 =	sadd.s32 $0xFFFFFEF7, lr;
	s5 =	simm.s32 $0xFFFFFFFF;
	p2 =	slt.u32 s8, $0xFFFFF086  }
0x1c: {  	p1 =	slt.u32 s9, $0xF7A;
	s5 =	simm.s32 @!p2 $0x0  }
0x1d: {  	s5 =	simm.s32 @p1 $0x1;
	p0 =	seq.s32 s7, s2  }
0x1e: {  	s7 =	smul.u32 @!p0 $0xF7A, s2;
	p2 =	seq.s32 @!p0 s5, $0x0  }
0x1f: {  	s9 =	smul.u32 $0xF7A, s1;
	s8 =	simm.s32 @!p0 $0x1BF5;
	p2 =	por !p2, p0  }
0x20: {  	[sflag:s8] =	ssyncset.s32 @!p0 $0xFFFFF086;
	s6 =	sadd.s32 @!p0 s3, s7;
	s7 =	simm.s32 @!p0 $0x108  }
0x21: {  	s3 =	sadd.s32 s3, s9;
	s6 =	sadd.s32 @!p0 $0x88, s6;
	s7 =	simm.s32 @p2 $0x1082  }
0x22: {  	[simem:s7], [sflag:s8] =	dma.local @!p0 [hbm:s6], $0xF7A  }
0x23: {  	s9 =	sor.u32 $0xD0000000, s2;
	s6 =	simm.s32 $0x108;
	_ =	swait.ge @!p0 [sflag:s8], $0x0  }
0x24: {  	s3 =	sadd.s32 $0x88, s3;
	s6 =	simm.s32 @!p1 $0x1082;
	[sflag:s4] =	ssyncset.s32 $0xFFFFF086  }
0x25: {  	[simem:s6], [sflag:s4] =	dma.local [hbm:s3], $0xF7A  }
0x26: {  	[smem:$0x3F9E] =	sst s1;
	(tag) =	ssettag s2;
	_ =	strace s9  }
0x27: {  	s1 =	sld [smem:$0x3FAE]  }
0x28: {  	s2 =	sld [smem:$0x3FAF]  }
0x29: {  	s4 =	sld [smem:$0x3FB1]  }
0x2a: {  	p0 =	seq.s32 s5, $0x0;
	s5 =	sld [smem:$0x3FB2]  }
0x2b: {  	s6 =	sld [smem:$0x3FB3]  }
0x2c: {  	s7 =	sld [smem:$0x3FB4]  }
0x2d: {  	s3 =	simm.s32 $0x108;
	s8 =	sld [smem:$0x3FB5]  }
0x2e: {  	s3 =	simm.s32 @!p0 $0x1082;
	s9 =	sld [smem:$0x3FB6]  }
0x2f: {  	lr =	sadd.s32 s0, s3;
	s0 =	sld [smem:$0x3FAD]  }
0x30: {  	s3 =	sld [smem:$0x3FB0]  }
0x31: {  	[smem:$0x3FB9] =	sst s10  }
0x32: {  	s10 =	sld [smem:$0x3FB7];
	_ =	sdelay $0x3  }
0x33: {  	p0 =	seq.s32 s10, $0x1;
	s10 =	sld [smem:$0x3FB9];
	_ =	sdelay $0x3  }
0x34: {  	[smem:$0x3FB9] =	sst s10  }
0x35: {  	s10 =	sld [smem:$0x3FB8];
	_ =	sdelay $0x3  }
0x36: {  	p1 =	seq.s32 s10, $0x1;
	s10 =	sld [smem:$0x3FB9];
	_ =	sdelay $0x3  }
0x37: {  	[smem:$0x3FB9] =	sst s10  }
0x38: {  	s10 =	sld [smem:$0x3FBA]  }
0x39: {  	_ = 	snop;
	(pc) =	sbr.ind lr, $3  }
0x3a: {  	_ = 	snop  }
0x3b: {  	_ = 	snop  }
0x3c: {  	p2 =	seq.s32 s10, $0x1;
	s10 =	sld [smem:$0x3FB9]  }
0x3d: {  	_ =	shalt  }
0x3e: {  	_ =	shalt  }
0x3f: {  	_ =	shalt  }
0x40: {  	_ =	shalt  }
0x41: {  	_ =	shalt  }
0x42: {  	_ =	shalt  }
0x43: {  	_ =	shalt  }
0x44: {  	_ =	shalt  }
0x45: {  	_ =	shalt  }
0x46: {  	_ =	shalt  }
0x47: {  	_ =	shalt  }
0x48: {  	_ =	shalt  }
0x49: {  	_ =	shalt  }
0x4a: {  	_ =	shalt  }
0x4b: {  	_ =	shalt  }
0x4c: {  	_ =	shalt  }
0x4d: {  	_ =	shalt  }
0x4e: {  	_ =	shalt  }
0x4f: {  	_ =	shalt  }
0x50: {  	_ =	shalt  }
0x51: {  	_ =	shalt  }
0x52: {  	_ =	shalt  }
0x53: {  	_ =	shalt  }
0x54: {  	_ =	shalt  }
0x55: {  	_ =	shalt  }
0x56: {  	_ =	shalt  }
0x57: {  	_ =	shalt  }
0x58: {  	_ =	shalt  }
0x59: {  	_ =	shalt  }
0x5a: {  	_ =	shalt  }
0x5b: {  	_ =	shalt  }
0x5c: {  	_ =	shalt  }
0x5d: {  	_ =	shalt  }
0x5e: {  	_ =	shalt  }
0x5f: {  	_ =	shalt  }
0x60: {  	_ =	shalt  }
0x61: {  	_ =	shalt  }
0x62: {  	_ =	shalt  }
0x63: {  	_ =	shalt  }
0x64: {  	_ =	shalt  }
0x65: {  	_ =	shalt  }
0x66: {  	_ =	shalt  }
0x67: {  	_ =	shalt  }
0x68: {  	_ =	shalt  }
0x69: {  	_ =	shalt  }
0x6a: {  	_ =	shalt  }
0x6b: {  	_ =	shalt  }
0x6c: {  	_ =	shalt  }
0x6d: {  	_ =	shalt  }
0x6e: {  	_ =	shalt  }
0x6f: {  	_ =	shalt  }
0x70: {  	_ =	shalt  }
0x71: {  	_ =	shalt  }
0x72: {  	_ =	shalt  }
0x73: {  	_ =	shalt  }
0x74: {  	_ =	shalt  }
0x75: {  	_ =	shalt  }
0x76: {  	_ =	shalt  }
0x77: {  	_ =	shalt  }
0x78: {  	_ =	shalt  }
0x79: {  	_ =	shalt  }
0x7a: {  	_ =	shalt  }
0x7b: {  	_ =	shalt  }
0x7c: {  	_ =	shalt  }
0x7d: {  	_ =	shalt  }
0x7e: {  	_ =	shalt  }
0x7f: {  	_ =	shalt  }
0x80: {  	_ =	shalt  }
0x81: {  	_ =	shalt  }
0x82: {  	_ =	shalt  }
0x83: {  	_ =	shalt  }
0x84: {  	_ =	shalt  }
0x85: {  	_ =	shalt  }
0x86: {  	_ =	shalt  }
0x87: {  	_ =	shalt  }
.Lfunc_end0:
.L_simem_size_0:
called_computation_lowered:
.L_overlay_start_0:
0x88: {  	s2 =	sld [smem:$0x3FD9]  }
0x89: {  	s3 =	sld [smem:$0x3FFE];
	_ =	sdelay $0x1  }
0x8a: {  	s1 =	srdreg.scid  }
0x8b: {  	s0 =	sand.u32 $0x1, s1  }
0x8c: {  	s14 =	sshll.u32 s0, $0xA;
	s2 =	sadd.s32 s3, s2  }
0x8d: {  	s2 =	sadd.s32 s2, s14  }
0x8e: {  	[smem:$0x3FC5] =	sst s2  }
0x8f: {  	_ = 	snop  }
0x90: {  	s2 =	sld [smem:$0x3FD0];
	_ =	sdelay $0x2  }
0x91: {  	s4 =	simm.s32 $0xA;
	s5 =	simm.s32 $0x10;
	s15 =	sld [smem:$0x3FC9]  }
0x92: {  	[smem:s5], [sflag:s4] =	dma.local [hbm:s2], $0x1  }
0x93: {  	_ =	swait.eq [sflag:s4], $0x1  }
0x94: {  	[sflag:s4] =	ssyncset.done $0x0  }
0x95: {  	[sflag:s4] =	ssyncadd.s32 $0xFFFFFFFF  }
0x96: {  	s16 =	sld [smem:$0x10];
	(tm) =	ssettm $0x1  }
0x97: {  	s17 =	sld [smem:$0x3FFB];
	_ =	sdelay $0x3  }
0x98: {  	_ =	strace s17  }
0x99: {  	s4 =	sld [smem:$0x3FFC];
	_ =	sdelay $0x3  }
0x9a: {  	_ =	strace s4  }
0x9b: {  	s4 =	sld [smem:$0x3FFD];
	_ =	sdelay $0x3  }
0x9c: {  	_ =	strace s4  }
0x9d: {  	_ =	strace $0x8FFFFFFF  }
0x9e: {  	s18 =	sld [smem:$0x3FDB];
	_ =	sdelay $0x1  }
0x9f: {  	s19 =	simm.s32 $_scs_section_size  }
0xa0: {  	s6 =	simm.s32 $_size__tile_overlayer_lowered;
	s7 =	simm.s32 $_tile_overlayer_lowered  }
0xa1: {  	s22 =	simm.s32 $0x1BFF;
	s21 =	sshll.u32 s7, $0x1;
	s4 =	sadd.s32 s19, s18  }
0xa2: {  	s8 =	simm.s32 $0x0;
	s20 =	sshll.u32 s6, $0x1;
	s6 =	sadd.s32 s21, s4  }
0xa3: {  	[timem:s8], [sflag:s22] =	dma.local [hbm:s6], s20  }
0xa4: {  	_ =	swait.ge [sflag:s22], s20  }
0xa5: {  	s5 =	ssub.s32 $0x0, s20;
	[sflag:s22] =	ssyncset.done $0x0  }
0xa6: {  	[sflag:s22] =	ssyncadd.s32 s5;
	_ =	sdelay $0x1  }
0xa7: {  	s23 =	simm.s32 $0x1B8B  }
0xa8: {  	_ =	swait.ge [sflag:s23], $0x1  }
0xa9: {  	[sflag:s23] =	ssyncset.done $0x0  }
0xaa: {  	s25 =	simm.s32 $0x1B8E;
	s24 =	sld [smem:$0x3FFE];
	[sflag:s23] =	ssyncadd.s32 $0xFFFFFFFF  }
0xab: {  	s26 =	simm.s32 $execute0_lowered;
	[smem:$0x3FD2] =	sst s25  }
0xac: {  	s6 =	sshll.u32 s26, $0x1;
	_ =	strace $0x80000046;
	[dreg:$0x1] =	wrdreg $0xFFFFFFFF  }
0xad: {  	s28 =	simm.s32 $_size_execute0_lowered;
	s4 =	sadd.s32 s4, s6;
	[dreg:$0x0] =	wrdreg $0x0  }
0xae: {  	s6 =	sshll.u32 s28, $0x1;
	[dreg:$0x2] =	wrdreg s4  }
0xaf: {  	[dreg:$0x3] =	wrdreg s6  }
0xb0: {  	[dreg:$0x4] =	wrdreg $0xC0  }
0xb1: {  	_ =	task [dreg:s8], $0x5FFFF  }
0xb2: {  	[dreg:$0x1] =	wrdreg $0xFFFFFFFF  }
0xb3: {  	[dreg:$0x0] =	wrdreg $0x60  }
0xb4: {  	[dreg:$0x2] =	wrdreg s15  }
0xb5: {  	[dreg:$0x3] =	wrdreg s24  }
0xb6: {  	[dreg:$0x4] =	wrdreg s16  }
0xb7: {  	[dreg:$0x5] =	wrdreg $0x9  }
0xb8: {  	_ =	task.clear_ibuf [dreg:s8], $0x6FFFF;
	_ =	strace $0x90000046  }
0xb9: {  	s29 =	simm.s32 $0x9;
	_ =	strace $0x80000048  }
0xba: {  	_ =	swait.ge [sflag:s29], $0x1  }
0xbb: {  	[sflag:s29] =	ssyncadd.s32 $0xFFFFFFFF  }
0xbc: {  	_ =	strace $0x90000048  }
0xbd: {  	_ =	sfence  }
0xbe: {  	s30 =	sld [smem:$0x0];
	_ =	sdelay $0x2  }
0xbf: {  	s31 =	sshll.u32 s1, $0xD;
	s1 =	sshrl.u32 s1, $0x2  }
0xc0: {  	s3 =	sand.u32 $0x4000, s31;
	s1 =	sadd.s32 s1, s30  }
0xc1: {  	s0 =	sor.u32 s3, s0;
	s1 =	sshll.u32 s1, $0x11  }
0xc2: {  	s0 =	sor.u32 s1, s0  }
0xc3: {  	s0 =	sadd.s32 $0x8F2B, s0  }
0xc4: {  	[sflag:s0] =	ssyncadd.remote.s32 $0x1  }
0xc5: {  	_ =	sfence.sel $0xFFFF  }
0xc6: {  	[dreg:$0x0] =	wrdreg $0xFFFFFFFF;
	(pc) =	sbr.abs _section_cstart, $3  }
0xc7: {  	[dreg:$0x1] =	wrdreg $0xFFFFFFFF  }
0xc8: {  	_ =	task.clear_ibuf [dreg:s8], $0x2FFFF;
	_ =	strace $0x9FFFFFFF  }
0xc9: {  	(tm) =	ssettm $0x7FFFFFFF  }
tec
execute0_lowered:
.L_overlay_start_1:
0x0: {  	(tag) =	ssettag $0x1  }
0x1: {  	s0 =	srdreg.scid  }
0x2: {  	s5 =	sand.u32 $0x1, s0;
	s0 =	stileid.u32  }
0x3: {  	s6 =	sor.u32 s0, s5  }
0x4: {  	p0 =	sne.s32 s6, $0x0  }
.Ltmp0:
0x5: {  	_ = 	snop;
	(pc) =	sbr.rel @p0 .LBB2_3-.Ltmp0, $4  }
0x6: {  	s1 =	rddreg [dreg:$0x0]  }
0x7: {  	s4 =	rddreg [dreg:$0x1]  }
0x8: {  	s3 =	rddreg [dreg:$0x2]  }
0x9: {  	s2 =	rddreg [dreg:$0x3];
	_ =	strace $0x80000047  }
0xa: {  	s5 =	ssub.s32 $0x2, s5;
	s4 =	sadd.s32 $0x800, s4;
	s7 =	simm.s32 $0x2  }
0xb: {  	s8 =	simm.s32 $0x8;
	s9 =	simm.s32 $0x80;
	s6 =	sshrl.u32 s5, $0x1  }
0xc: {  	s10 =	simm.s32 $0x1;
	s5 =	ssub.s32 s5, s6;
	s6 =	simm.s32 $0x0  }
.LBB2_2:
0xd: {  	[tilespmem:s6], [sflag:$0x2] =	stream.linear.gather [hbm4b:s4+s6], $0x80, $0x38;
	[tilespmem:$0x480] =	vst v63  }
0xe: {  	_ =	swait.ge [sflag:s7], $0x80  }
0xf: {  	[sflag:s7] =	ssyncset.done $0x0  }
0x10: {  	[sflag:s7] =	ssyncadd.s32 $0xFFFFFF80  }
0x11: {  	[tilespmem:s9], [sflag:$0x1] =	stream.indirect.gather [hbm4b:s1+s8], $0x80, s6, s8, $0xb8;
	[tilespmem:$0x480] =	vst v63  }
0x12: {  	_ =	swait.ge [sflag:s10], $0x400  }
0x13: {  	[sflag:s10] =	ssyncset.done $0x0  }
0x14: {  	[sflag:s10] =	ssyncadd.s32 $0xFFFFFC00  }
0x15: {  	v0 =	vld [tilespmem:$0x80]  }
0x16: {  	v1 =	vld [tilespmem:$0x90]  }
0x17: {  	v2 =	vld [tilespmem:$0xA0]  }
0x18: {  	v3 =	vld [tilespmem:$0xB0]  }
0x19: {  	v4 =	vld [tilespmem:$0xC0]  }
0x1a: {  	v5 =	vld [tilespmem:$0xD0];
	v0 =	vadd.f32 $1.000000000e+00, v0  }
0x1b: {  	v6 =	vld [tilespmem:$0xE0];
	v1 =	vadd.f32 $1.000000000e+00, v1  }
0x1c: {  	v56 =	vld [tilespmem:$0xF0];
	v55 =	vadd.f32 $1.000000000e+00, v2;
	[tilespmem:$0x80] =	vst v0  }
0x1d: {  	v58 =	vld [tilespmem:$0x100];
	v57 =	vadd.f32 $1.000000000e+00, v3;
	[tilespmem:$0x90] =	vst v1  }
0x1e: {  	v60 =	vld [tilespmem:$0x110];
	v59 =	vadd.f32 $1.000000000e+00, v4;
	[tilespmem:$0xA0] =	vst v55  }
0x1f: {  	v62 =	vld [tilespmem:$0x120];
	v61 =	vadd.f32 $1.000000000e+00, v5;
	[tilespmem:$0xB0] =	vst v57  }
0x20: {  	v9 =	vld [tilespmem:$0x130];
	v63 =	vadd.f32 $1.000000000e+00, v6;
	[tilespmem:$0xC0] =	vst v59  }
0x21: {  	v11 =	vld [tilespmem:$0x140];
	v10 =	vadd.f32 $1.000000000e+00, v56;
	[tilespmem:$0xD0] =	vst v61  }
0x22: {  	v13 =	vld [tilespmem:$0x150];
	v12 =	vadd.f32 $1.000000000e+00, v58;
	[tilespmem:$0xE0] =	vst v63  }
0x23: {  	v15 =	vld [tilespmem:$0x160];
	v14 =	vadd.f32 $1.000000000e+00, v60;
	[tilespmem:$0xF0] =	vst v10  }
0x24: {  	v17 =	vld [tilespmem:$0x170];
	v16 =	vadd.f32 $1.000000000e+00, v62;
	[tilespmem:$0x100] =	vst v12  }
0x25: {  	v19 =	vld [tilespmem:$0x180];
	v18 =	vadd.f32 $1.000000000e+00, v9;
	[tilespmem:$0x110] =	vst v14  }
0x26: {  	v21 =	vld [tilespmem:$0x190];
	v20 =	vadd.f32 $1.000000000e+00, v11;
	[tilespmem:$0x120] =	vst v16  }
0x27: {  	v23 =	vld [tilespmem:$0x1A0];
	v22 =	vadd.f32 $1.000000000e+00, v13;
	[tilespmem:$0x130] =	vst v18  }
0x28: {  	v25 =	vld [tilespmem:$0x1B0];
	v24 =	vadd.f32 $1.000000000e+00, v15;
	[tilespmem:$0x140] =	vst v20  }
0x29: {  	v27 =	vld [tilespmem:$0x1C0];
	v26 =	vadd.f32 $1.000000000e+00, v17;
	[tilespmem:$0x150] =	vst v22  }
0x2a: {  	v29 =	vld [tilespmem:$0x1D0];
	v28 =	vadd.f32 $1.000000000e+00, v19;
	[tilespmem:$0x160] =	vst v24  }
0x2b: {  	v31 =	vld [tilespmem:$0x1E0];
	v30 =	vadd.f32 $1.000000000e+00, v21;
	[tilespmem:$0x170] =	vst v26  }
0x2c: {  	v33 =	vld [tilespmem:$0x1F0];
	v32 =	vadd.f32 $1.000000000e+00, v23;
	[tilespmem:$0x180] =	vst v28  }
0x2d: {  	v35 =	vld [tilespmem:$0x200];
	v34 =	vadd.f32 $1.000000000e+00, v25;
	[tilespmem:$0x190] =	vst v30  }
0x2e: {  	v37 =	vld [tilespmem:$0x210];
	v36 =	vadd.f32 $1.000000000e+00, v27;
	[tilespmem:$0x1A0] =	vst v32  }
0x2f: {  	v39 =	vld [tilespmem:$0x220];
	v38 =	vadd.f32 $1.000000000e+00, v29;
	[tilespmem:$0x1B0] =	vst v34  }
0x30: {  	v41 =	vld [tilespmem:$0x230];
	v40 =	vadd.f32 $1.000000000e+00, v31;
	[tilespmem:$0x1C0] =	vst v36  }
0x31: {  	v43 =	vld [tilespmem:$0x240];
	v42 =	vadd.f32 $1.000000000e+00, v33;
	[tilespmem:$0x1D0] =	vst v38  }
0x32: {  	v45 =	vld [tilespmem:$0x250];
	v44 =	vadd.f32 $1.000000000e+00, v35;
	[tilespmem:$0x1E0] =	vst v40  }
0x33: {  	v47 =	vld [tilespmem:$0x260];
	v46 =	vadd.f32 $1.000000000e+00, v37;
	[tilespmem:$0x1F0] =	vst v42  }
0x34: {  	v49 =	vld [tilespmem:$0x270];
	v48 =	vadd.f32 $1.000000000e+00, v39;
	[tilespmem:$0x200] =	vst v44  }
0x35: {  	v51 =	vld [tilespmem:$0x280];
	v50 =	vadd.f32 $1.000000000e+00, v41;
	[tilespmem:$0x210] =	vst v46  }
0x36: {  	v53 =	vld [tilespmem:$0x290];
	v52 =	vadd.f32 $1.000000000e+00, v43;
	[tilespmem:$0x220] =	vst v48  }
0x37: {  	v54 =	vadd.f32 $1.000000000e+00, v45;
	[tilespmem:$0x230] =	vst v50;
	v55 =	vld [tilespmem:$0x2A0]  }
0x38: {  	v56 =	vadd.f32 $1.000000000e+00, v47;
	[tilespmem:$0x240] =	vst v52;
	v57 =	vld [tilespmem:$0x2B0]  }
0x39: {  	v58 =	vadd.f32 $1.000000000e+00, v49;
	[tilespmem:$0x250] =	vst v54;
	v59 =	vld [tilespmem:$0x2C0]  }
0x3a: {  	v60 =	vadd.f32 $1.000000000e+00, v51;
	[tilespmem:$0x260] =	vst v56;
	v61 =	vld [tilespmem:$0x2D0]  }
0x3b: {  	v62 =	vadd.f32 $1.000000000e+00, v53;
	[tilespmem:$0x270] =	vst v58;
	v63 =	vld [tilespmem:$0x2E0]  }
0x3c: {  	[tilespmem:$0x280] =	vst v60;
	v10 =	vld [tilespmem:$0x2F0];
	v9 =	vadd.f32 $1.000000000e+00, v55  }
0x3d: {  	[tilespmem:$0x290] =	vst v62;
	v12 =	vld [tilespmem:$0x300];
	v11 =	vadd.f32 $1.000000000e+00, v57  }
0x3e: {  	v14 =	vld [tilespmem:$0x310];
	v13 =	vadd.f32 $1.000000000e+00, v59;
	[tilespmem:$0x2A0] =	vst v9  }
0x3f: {  	v16 =	vld [tilespmem:$0x320];
	v15 =	vadd.f32 $1.000000000e+00, v61;
	[tilespmem:$0x2B0] =	vst v11  }
0x40: {  	v18 =	vld [tilespmem:$0x330];
	v17 =	vadd.f32 $1.000000000e+00, v63;
	[tilespmem:$0x2C0] =	vst v13  }
0x41: {  	v20 =	vld [tilespmem:$0x340];
	v19 =	vadd.f32 $1.000000000e+00, v10;
	[tilespmem:$0x2D0] =	vst v15  }
0x42: {  	v22 =	vld [tilespmem:$0x350];
	v21 =	vadd.f32 $1.000000000e+00, v12;
	[tilespmem:$0x2E0] =	vst v17  }
0x43: {  	v24 =	vld [tilespmem:$0x360];
	v23 =	vadd.f32 $1.000000000e+00, v14;
	[tilespmem:$0x2F0] =	vst v19  }
0x44: {  	v26 =	vld [tilespmem:$0x370];
	v25 =	vadd.f32 $1.000000000e+00, v16;
	[tilespmem:$0x300] =	vst v21  }
0x45: {  	v28 =	vld [tilespmem:$0x380];
	v27 =	vadd.f32 $1.000000000e+00, v18;
	[tilespmem:$0x310] =	vst v23  }
0x46: {  	v30 =	vld [tilespmem:$0x390];
	v29 =	vadd.f32 $1.000000000e+00, v20;
	[tilespmem:$0x320] =	vst v25  }
0x47: {  	v32 =	vld [tilespmem:$0x3A0];
	v31 =	vadd.f32 $1.000000000e+00, v22;
	[tilespmem:$0x330] =	vst v27  }
0x48: {  	v34 =	vld [tilespmem:$0x3B0];
	v33 =	vadd.f32 $1.000000000e+00, v24;
	[tilespmem:$0x340] =	vst v29  }
0x49: {  	v36 =	vld [tilespmem:$0x3C0];
	v35 =	vadd.f32 $1.000000000e+00, v26;
	[tilespmem:$0x350] =	vst v31  }
0x4a: {  	v38 =	vld [tilespmem:$0x3D0];
	v37 =	vadd.f32 $1.000000000e+00, v28;
	[tilespmem:$0x360] =	vst v33  }
0x4b: {  	v40 =	vld [tilespmem:$0x3E0];
	v39 =	vadd.f32 $1.000000000e+00, v30;
	[tilespmem:$0x370] =	vst v35  }
0x4c: {  	v42 =	vld [tilespmem:$0x3F0];
	v41 =	vadd.f32 $1.000000000e+00, v32;
	[tilespmem:$0x380] =	vst v37  }
0x4d: {  	v44 =	vld [tilespmem:$0x400];
	v43 =	vadd.f32 $1.000000000e+00, v34;
	[tilespmem:$0x390] =	vst v39  }
0x4e: {  	v46 =	vld [tilespmem:$0x410];
	v45 =	vadd.f32 $1.000000000e+00, v36;
	[tilespmem:$0x3A0] =	vst v41  }
0x4f: {  	v48 =	vld [tilespmem:$0x420];
	v47 =	vadd.f32 $1.000000000e+00, v38;
	[tilespmem:$0x3B0] =	vst v43  }
0x50: {  	v50 =	vld [tilespmem:$0x430];
	v49 =	vadd.f32 $1.000000000e+00, v40;
	[tilespmem:$0x3C0] =	vst v45  }
0x51: {  	v52 =	vld [tilespmem:$0x440];
	v51 =	vadd.f32 $1.000000000e+00, v42;
	[tilespmem:$0x3D0] =	vst v47  }
0x52: {  	v54 =	vld [tilespmem:$0x450];
	v53 =	vadd.f32 $1.000000000e+00, v44;
	[tilespmem:$0x3E0] =	vst v49  }
0x53: {  	v56 =	vld [tilespmem:$0x460];
	v55 =	vadd.f32 $1.000000000e+00, v46;
	[tilespmem:$0x3F0] =	vst v51  }
0x54: {  	v58 =	vld [tilespmem:$0x470];
	v57 =	vadd.f32 $1.000000000e+00, v48;
	[tilespmem:$0x400] =	vst v53  }
0x55: {  	v59 =	vadd.f32 $1.000000000e+00, v50;
	[tilespmem:$0x410] =	vst v55  }
0x56: {  	v60 =	vadd.f32 $1.000000000e+00, v52;
	[tilespmem:$0x420] =	vst v57  }
0x57: {  	v61 =	vadd.f32 $1.000000000e+00, v54;
	[tilespmem:$0x430] =	vst v59  }
0x58: {  	v62 =	vadd.f32 $1.000000000e+00, v56;
	[tilespmem:$0x440] =	vst v60  }
0x59: {  	v63 =	vadd.f32 $1.000000000e+00, v58;
	[tilespmem:$0x450] =	vst v61  }
0x5a: {  	p0 =	sne.s32 s5, $0x1;
	[tilespmem:$0x460] =	vst v62  }
.Ltmp1:
0x5b: {  	[tilespmem:$0x470] =	vst v63;
	(pc) =	sbr.rel @p0 .LBB2_2-.Ltmp1, $4  }
0x5c: {  	[hbm4b:s3+s6] =	stream.linear.scatter [tilespmem:s9], [sflag:$0x2], $0x400, $0x38;
	[tilespmem:$0x480] =	vst v63  }
0x5d: {  	_ =	swait.ge [sflag:s7], $0x400  }
0x5e: {  	[sflag:s7] =	ssyncset.done $0x0  }
0x5f: {  	s5 =	sadd.s32 $0xFFFFFFFF, s5;
	[sflag:s7] =	ssyncadd.s32 $0xFFFFFC00  }
.LBB2_3:
0x60: {  	_ =	sfence.sel $0x180000  }
0x61: {  	[bflag:$0x0] =	sbarrier.arrive $0xFFFF  }
0x62: {  	p0 =	sne.s32 s0, $0x0;
	_ =	strace $0x90000047  }
0x63: {  	s0 =	sadd.s32 @!p0 $0x100000, s2;
	[bflag:$0x2] =	sbarrier.arrive $0xFFFF  }
0x64: {  	[sflag:s0] =	ssyncadd.tile.s32 @!p0 $0x1;
	_ =	shalt  }
.Lfunc_end2:
_tile_overlayer_lowered:
.L_overlay_start_2:
0x65: {  	(tag) =	ssettag $0x2  }
0x66: {  	s0 =	rddreg [dreg:$0x0];
	s2 =	stileid.u32  }
0x67: {  	s1 =	rddreg [dreg:$0x1];
	p0 =	sne.s32 s2, $0x0  }
0x68: {  	s3 =	rddreg [dreg:$0x2];
	[bflag:$0x3] =	sbarrier.arrive $0xFFFF;
	s2 =	simm.s32 @!p0 $0x1C02  }
0x69: {  	[timem:s3], [sflag:s2] =	dma.local @!p0 [hbm:s0], s1  }
0x6a: {  	s0 =	simm.s32 @!p0 $0x2  }
0x6b: {  	_ =	swait.ge @!p0 [sflag:s0], s1  }
0x6c: {  	s1 =	ssub.s32 @!p0 $0x0, s1;
	[sflag:s0] =	ssyncset.done @!p0 $0x0  }
0x6d: {  	[sflag:s0] =	ssyncadd.s32 @!p0 s1  }
0x6e: {  	[bflag:$0x3] =	sbarrier.arrive $0xFFFF  }
0x6f: {  	_ =	shalt  }

</sc_bundles>
